<compile_context>
chip_gen: v7x
topology: tpu7x:2x2x1
jax: 0.10.2.dev20260603
libtpu: 0.0.44.dev20260713+nightly
codegen_flags: <defaults>
</compile_context>

<pallas_src>
import functools

import jax
import jax.numpy as jnp
from jax import lax
from jax.experimental import pallas as pl
from jax.experimental.pallas import tpu as pltpu
from jax.experimental.pallas import tpu_sc as plsc

_NC = 2
_NS = 16
_L = 16
_K = 128
_KQ = 16


def _sc_kernel_body(N, E, D, R, P, nseg,
                    x_hbm, src_hbm, dst_hbm, et_hbm, pool_hbm, rep_hbm,
                    s_out, c_out, xp_out,
                    slotmap, src_s, dst_s, typ_s, packq,
                    rows, ones_rows, zbuf, pool_v, rep_v,
                    srcchunk, segchunk, s_acc, c_acc, sem):
    c = lax.axis_index("c")
    s = lax.axis_index("s")
    wid = c * _NS + s
    e_sh = E // (_NC * _NS)
    n_vec = e_sh // _L
    base = wid * e_sh

    pltpu.sync_copy(src_hbm.at[pl.ds(base, e_sh)], src_s)
    pltpu.sync_copy(dst_hbm.at[pl.ds(base, e_sh)], dst_s)
    pltpu.sync_copy(et_hbm.at[pl.ds(base, e_sh)], typ_s)
    pltpu.sync_copy(pool_hbm, pool_v)
    pltpu.sync_copy(rep_hbm, rep_v)

    one_hot = jnp.where(lax.iota(jnp.int32, _L) == 0,
                        jnp.float32(1), jnp.float32(0))
    zero16 = jnp.zeros((_L,), jnp.float32)

    zrows_half = nseg // _NS // 2 + 1

    def zrow_body(i, _):
        for k in range(D // _L):
            zbuf[i, pl.ds(k * _L, _L)] = zero16
        return 0

    lax.fori_loop(0, zrows_half, zrow_body, 0)

    def ones_body(i, _):
        ones_rows[i, pl.ds(0, _L)] = one_hot
        for k in range(1, D // _L):
            ones_rows[i, pl.ds(k * _L, _L)] = zero16
        return 0

    lax.fori_loop(0, _KQ, ones_body, 0)

    rows_per_tile = nseg // _NS
    zlo = s * rows_per_tile
    zrest = rows_per_tile - zrows_half
    pltpu.sync_copy(zbuf, s_acc.at[pl.ds(zlo, zrows_half)])
    pltpu.sync_copy(zbuf.at[pl.ds(0, zrest)],
                    s_acc.at[pl.ds(zlo + zrows_half, zrest)])
    pltpu.sync_copy(zbuf, c_acc.at[pl.ds(zlo, zrows_half)])
    pltpu.sync_copy(zbuf.at[pl.ds(0, zrest)],
                    c_acc.at[pl.ds(zlo + zrows_half, zrest)])

    def init_body(i, _):
        for k in range(5):
            slotmap[pl.ds((i * 5 + k) * _L, _L)] = jnp.full((_L,), -1,
                                                            jnp.int32)
        return 0

    lax.fori_loop(0, N // (_L * 5), init_body, 0)
    for j in range(P // _L):
        pv = pool_v[pl.ds(j * _L, _L)]
        rv = rep_v[pl.ds(j * _L, _L)]
        plsc.store_scatter(slotmap, [pv], rv)
    plsc.subcore_barrier()

    def scan_body(i, qptr):
        dv = dst_s[pl.ds(i * _L, _L)]
        sl = plsc.load_gather(slotmap, [dv])
        m = sl >= 0
        tv = typ_s[pl.ds(i * _L, _L)]
        sv = src_s[pl.ds(i * _L, _L)]
        seg = tv * P + sl
        pk = jnp.bitwise_or(sv, jnp.left_shift(seg, 14))
        plsc.store_compressed(packq.at[pl.ds(qptr, _L)], pk, mask=m)
        return qptr + jnp.sum(m.astype(jnp.int32))

    nq = lax.fori_loop(0, n_vec, scan_body, jnp.int32(0))

    all_on = lax.iota(jnp.int32, _L) >= 0
    padv = jnp.full((_L,), (R * P) << 14, jnp.int32)

    def pad_body(i, _):
        plsc.store_compressed(packq.at[pl.ds(nq + i * _L, _L)], padv,
                              mask=all_on)
        return 0

    lax.fori_loop(0, _KQ // _L, pad_body, 0)

    def chunk_body(j, _):
        for t in range(_KQ // _L):
            pk = packq[pl.ds(j * _KQ + t * _L, _L)]
            srcchunk[pl.ds(t * _L, _L)] = jnp.bitwise_and(pk, 16383)
            segchunk[pl.ds(t * _L, _L)] = lax.shift_right_logical(pk, 14)
        pltpu.async_copy(x_hbm.at[srcchunk], rows.at[pl.ds(0, _KQ)],
                         sem).wait()
        pltpu.sync_copy(rows.at[pl.ds(0, _KQ)], s_acc.at[segchunk], add=True)
        pltpu.sync_copy(ones_rows, c_acc.at[segchunk], add=True)
        return 0

    nchunks = (nq + _KQ - 1) // _KQ
    lax.fori_loop(0, nchunks, chunk_body, 0)
    plsc.subcore_barrier()

    out_rows = (R * P) // _NS
    pltpu.sync_copy(s_acc.at[pl.ds(s * out_rows, out_rows)],
                    s_out.at[c, pl.ds(s * out_rows, out_rows)])
    pltpu.sync_copy(c_acc.at[pl.ds(s * out_rows, out_rows)],
                    c_out.at[c, pl.ds(s * out_rows, out_rows)])

    @pl.when(s == 0)
    def _():
        pltpu.async_copy(x_hbm.at[pool_v.at[pl.ds(c * _K, _K)]], rows,
                         sem).wait()
        pltpu.sync_copy(rows, xp_out.at[pl.ds(c * _K, _K)])


def _tc_body(R, P, invP, s_ref, c_ref, xp_ref, wr_ref, ws_ref, mult_ref,
             out_ref):
    seg_sum = s_ref[0] + s_ref[1]
    cnt = c_ref[0] + c_ref[1]
    norm = 1.0 / jnp.maximum(cnt[:, 0:1], 1.0)
    seg_n = seg_sum * norm
    agg = jnp.zeros_like(xp_ref)
    for r in range(R):
        agg = agg + jnp.dot(seg_n[r * P:(r + 1) * P, :], wr_ref[r],
                            preferred_element_type=jnp.float32)
    h = jnp.dot(xp_ref[...], ws_ref[...],
                preferred_element_type=jnp.float32) + agg
    relu = jnp.maximum(h, 0.0)
    out_ref[...] = jnp.dot(mult_ref[...], relu,
                           preferred_element_type=jnp.float32) * invP


def kernel(x, edge_index, edge_type, pool_indices, W_self, W_rel):
    N, D = x.shape
    E = edge_type.shape[0]
    R = W_rel.shape[0]
    P = pool_indices.shape[0]
    nseg_pad = R * P + _L
    nseg_pad += (-nseg_pad) % _NS
    e_sh = E // (_NC * _NS)

    eq = pool_indices[:, None] == pool_indices[None, :]
    rep = jnp.argmax(eq, axis=1).astype(jnp.int32)
    mult = jnp.sum(eq, axis=1)
    mult_eff = jnp.where(rep == jnp.arange(P, dtype=jnp.int32), mult,
                         0).astype(jnp.float32).reshape(1, P)

    mesh = plsc.VectorSubcoreMesh(core_axis_name="c", subcore_axis_name="s",
                                  num_cores=_NC, num_subcores=_NS)
    sc = pl.kernel(
        functools.partial(_sc_kernel_body, N, E, D, R, P, nseg_pad),
        out_type=[
            jax.ShapeDtypeStruct((_NC, R * P, D), jnp.float32),
            jax.ShapeDtypeStruct((_NC, R * P, D), jnp.float32),
            jax.ShapeDtypeStruct((P, D), jnp.float32),
        ],
        mesh=mesh,
        compiler_params=pltpu.CompilerParams(needs_layout_passes=False),
        scratch_types=[
            pltpu.VMEM((N,), jnp.int32),
            pltpu.VMEM((e_sh,), jnp.int32),
            pltpu.VMEM((e_sh,), jnp.int32),
            pltpu.VMEM((e_sh,), jnp.int32),
            pltpu.VMEM((e_sh + _KQ,), jnp.int32),
            pltpu.VMEM((_K, D), jnp.float32),
            pltpu.VMEM((_KQ, D), jnp.float32),
            pltpu.VMEM((nseg_pad // _NS // 2 + 1, D), jnp.float32),
            pltpu.VMEM((P,), jnp.int32),
            pltpu.VMEM((P,), jnp.int32),
            pltpu.VMEM((_KQ,), jnp.int32),
            pltpu.VMEM((_KQ,), jnp.int32),
            pltpu.VMEM_SHARED((nseg_pad, D), jnp.float32),
            pltpu.VMEM_SHARED((nseg_pad, D), jnp.float32),
            pltpu.SemaphoreType.DMA,
        ],
    )
    s_out, c_out, xp = sc(x, edge_index[0], edge_index[1], edge_type,
                          pool_indices, rep)

    tc = pl.pallas_call(
        functools.partial(_tc_body, R, P, 1.0 / P),
        out_shape=jax.ShapeDtypeStruct((1, D), jnp.float32),
    )
    return tc(s_out, c_out, xp, W_rel, W_self, mult_eff)

# --- scband reference (transcript-rebuilt; emitter-appended) ---
"""Pipeline reference for scband-inference-model-34127810134336 (READ-ONLY COPY).

The authoritative reference and input builder live on the scoring server;
editing this copy changes nothing except your own understanding.
"""

import jax, jax.numpy as jnp
import numpy as np

N = 10000
E = 320000
D = 128
R = 8
P = 256


def setup_inputs(seed: int = 0) -> dict:
    key = jax.random.key(seed)
    ks = jax.random.split(key, 6)
    x = jax.random.normal(ks[0], (N, D), dtype=jnp.float32)
    edge_index = jax.random.randint(ks[1], (2, E), 0, N, dtype=jnp.int32)
    edge_type = jax.random.randint(ks[2], (E,), 0, R, dtype=jnp.int32)
    pool_indices = jax.random.randint(ks[3], (P,), 0, N, dtype=jnp.int32)
    W_self = jax.random.normal(ks[4], (D, D), dtype=jnp.float32) * (1.0 / np.sqrt(D))
    W_rel = jax.random.normal(ks[5], (R, D, D), dtype=jnp.float32) * (1.0 / np.sqrt(D))
    return {
        "x": x,
        "edge_index": edge_index,
        "edge_type": edge_type,
        "pool_indices": pool_indices,
        "W_self": W_self,
        "W_rel": W_rel,
    }


def reference(x, edge_index, edge_type, pool_indices, W_self, W_rel):
    # Single-layer RGCN (eval mode): per-relation linear transform,
    # per-(dst,relation) mean aggregation, self-loop transform, ReLU.
    src = edge_index[0]
    dst = edge_index[1]
    # Transform node features under every relation: [R, N, D]
    transformed = jnp.einsum('nd,rde->rne', x, W_rel)
    # Gather per-edge messages: msg_e = (x[src_e] @ W[edge_type_e])
    msg = transformed[edge_type, src]  # [E, D]
    # RGCN normalization c_{i,r}: count of incoming edges per (dst, relation)
    seg = dst * R + edge_type
    counts = jax.ops.segment_sum(jnp.ones((E,), jnp.float32), seg, num_segments=N * R)
    norm = 1.0 / jnp.maximum(counts[seg], 1.0)
    # Scatter-add normalized messages to destination nodes
    agg = jax.ops.segment_sum(msg * norm[:, None], dst, num_segments=N)
    h = x @ W_self + agg
    node_embeddings = jax.nn.relu(h)
    # index_select + mean pooling, keepdim
    pooled = jnp.mean(node_embeddings[pool_indices], axis=0, keepdims=True)
    return pooled

if __name__ == "__main__":
    import jax
    _d = setup_inputs()
    print(jax.jit(kernel)(*tuple(_d.values())))

</pallas_src>

<mosaic_0001>
#map = affine_map<(d0, d1) -> (0, 0)>
#map1 = affine_map<(d0, d1) -> (0)>
#map2 = affine_map<(d0, d1) -> (0, 0, 0)>
module attributes {stable_mosaic.version = 14 : i64} {
  func.func @_sc_kernel_body(%arg0: i32, %arg1: i32, %arg2: memref<10000x128xf32, #tpu.memory_space<hbm>>, %arg3: memref<320000xi32, #tpu.memory_space<hbm>>, %arg4: memref<320000xi32, #tpu.memory_space<hbm>>, %arg5: memref<320000xi32, #tpu.memory_space<hbm>>, %arg6: memref<256xi32, #tpu.memory_space<hbm>>, %arg7: memref<256xi32, #tpu.memory_space<hbm>>, %arg8: memref<2x2048x128xf32, #tpu.memory_space<hbm>>, %arg9: memref<2x2048x128xf32, #tpu.memory_space<hbm>>, %arg10: memref<256x128xf32, #tpu.memory_space<hbm>>, %arg11: memref<10000xi32, #tpu.memory_space<vmem>>, %arg12: memref<10000xi32, #tpu.memory_space<vmem>>, %arg13: memref<10000xi32, #tpu.memory_space<vmem>>, %arg14: memref<10000xi32, #tpu.memory_space<vmem>>, %arg15: memref<10016xi32, #tpu.memory_space<vmem>>, %arg16: memref<128x128xf32, #tpu.memory_space<vmem>>, %arg17: memref<16x128xf32, #tpu.memory_space<vmem>>, %arg18: memref<65x128xf32, #tpu.memory_space<vmem>>, %arg19: memref<256xi32, #tpu.memory_space<vmem>>, %arg20: memref<256xi32, #tpu.memory_space<vmem>>, %arg21: memref<16xi32, #tpu.memory_space<vmem>>, %arg22: memref<16xi32, #tpu.memory_space<vmem>>, %arg23: memref<2064x128xf32, #tpu.memory_space<vmem_shared>>, %arg24: memref<2064x128xf32, #tpu.memory_space<vmem_shared>>, %arg25: memref<!tpu.dma_semaphore, #tpu.memory_space<semaphore_mem>>) attributes {dimension_semantics = [#tpu.dimension_semantics<core_parallel>, #tpu.dimension_semantics<subcore_parallel>], iteration_bounds = array<i64: 2, 16>, scalar_prefetch = 0 : i64, scratch_operands = 15 : i64, tpu.core_type = #tpu.core_type<sc_vector_subcore>, window_params = [{transform_indices = #map}, {transform_indices = #map1}, {transform_indices = #map1}, {transform_indices = #map1}, {transform_indices = #map1}, {transform_indices = #map1}, {transform_indices = #map2}, {transform_indices = #map2}, {transform_indices = #map}]} {
    %mul3A = arith.constant 16 : i32
    %mul3A_0 = arith.muli %arg0, %mul3A : i32
    %add3A = arith.addi %mul3A_0, %arg1 : i32
    %mul3A_1 = arith.constant 10000 : i32
    %mul3A_2 = arith.muli %add3A, %mul3A_1 : i32
    "tpu.region"() ({
      %run_scoped3A = tpu.sem_alloc : memref<!tpu.dma_semaphore, #tpu.memory_space<semaphore_mem>>
      %dma_start3A = tpu.memref_slice %arg3[%mul3A_2] : memref<320000xi32, #tpu.memory_space<hbm>> -> memref<10000xi32, #tpu.memory_space<hbm>>
      %dma_start3A_163 = tpu.memref_slice %arg3[%mul3A_2] : memref<320000xi32, #tpu.memory_space<hbm>> -> memref<10000xi32, #tpu.memory_space<hbm>>
      tpu.enqueue_dma source(%dma_start3A_163 : memref<10000xi32, #tpu.memory_space<hbm>>) target(%arg12 : memref<10000xi32, #tpu.memory_space<vmem>>) target_semaphore(%run_scoped3A : memref<!tpu.dma_semaphore, #tpu.memory_space<semaphore_mem>>)
      %dma_wait3A = tpu.memref_slice %arg3[%mul3A_2] : memref<320000xi32, #tpu.memory_space<hbm>> -> memref<10000xi32, #tpu.memory_space<hbm>>
      %dma_wait3A_164 = tpu.memref_slice %arg3[%mul3A_2] : memref<320000xi32, #tpu.memory_space<hbm>> -> memref<10000xi32, #tpu.memory_space<hbm>>
      tpu.wait_dma2 semaphore(%run_scoped3A : memref<!tpu.dma_semaphore, #tpu.memory_space<semaphore_mem>>) src(%dma_wait3A_164 : memref<10000xi32, #tpu.memory_space<hbm>>) dst(%arg12 : memref<10000xi32, #tpu.memory_space<vmem>>)
      tpu.yield
    }) : () -> ()
    "tpu.region"() ({
      %run_scoped3A = tpu.sem_alloc : memref<!tpu.dma_semaphore, #tpu.memory_space<semaphore_mem>>
      %dma_start3A = tpu.memref_slice %arg4[%mul3A_2] : memref<320000xi32, #tpu.memory_space<hbm>> -> memref<10000xi32, #tpu.memory_space<hbm>>
      %dma_start3A_163 = tpu.memref_slice %arg4[%mul3A_2] : memref<320000xi32, #tpu.memory_space<hbm>> -> memref<10000xi32, #tpu.memory_space<hbm>>
      tpu.enqueue_dma source(%dma_start3A_163 : memref<10000xi32, #tpu.memory_space<hbm>>) target(%arg13 : memref<10000xi32, #tpu.memory_space<vmem>>) target_semaphore(%run_scoped3A : memref<!tpu.dma_semaphore, #tpu.memory_space<semaphore_mem>>)
      %dma_wait3A = tpu.memref_slice %arg4[%mul3A_2] : memref<320000xi32, #tpu.memory_space<hbm>> -> memref<10000xi32, #tpu.memory_space<hbm>>
      %dma_wait3A_164 = tpu.memref_slice %arg4[%mul3A_2] : memref<320000xi32, #tpu.memory_space<hbm>> -> memref<10000xi32, #tpu.memory_space<hbm>>
      tpu.wait_dma2 semaphore(%run_scoped3A : memref<!tpu.dma_semaphore, #tpu.memory_space<semaphore_mem>>) src(%dma_wait3A_164 : memref<10000xi32, #tpu.memory_space<hbm>>) dst(%arg13 : memref<10000xi32, #tpu.memory_space<vmem>>)
      tpu.yield
    }) : () -> ()
    "tpu.region"() ({
      %run_scoped3A = tpu.sem_alloc : memref<!tpu.dma_semaphore, #tpu.memory_space<semaphore_mem>>
      %dma_start3A = tpu.memref_slice %arg5[%mul3A_2] : memref<320000xi32, #tpu.memory_space<hbm>> -> memref<10000xi32, #tpu.memory_space<hbm>>
      %dma_start3A_163 = tpu.memref_slice %arg5[%mul3A_2] : memref<320000xi32, #tpu.memory_space<hbm>> -> memref<10000xi32, #tpu.memory_space<hbm>>
      tpu.enqueue_dma source(%dma_start3A_163 : memref<10000xi32, #tpu.memory_space<hbm>>) target(%arg14 : memref<10000xi32, #tpu.memory_space<vmem>>) target_semaphore(%run_scoped3A : memref<!tpu.dma_semaphore, #tpu.memory_space<semaphore_mem>>)
      %dma_wait3A = tpu.memref_slice %arg5[%mul3A_2] : memref<320000xi32, #tpu.memory_space<hbm>> -> memref<10000xi32, #tpu.memory_space<hbm>>
      %dma_wait3A_164 = tpu.memref_slice %arg5[%mul3A_2] : memref<320000xi32, #tpu.memory_space<hbm>> -> memref<10000xi32, #tpu.memory_space<hbm>>
      tpu.wait_dma2 semaphore(%run_scoped3A : memref<!tpu.dma_semaphore, #tpu.memory_space<semaphore_mem>>) src(%dma_wait3A_164 : memref<10000xi32, #tpu.memory_space<hbm>>) dst(%arg14 : memref<10000xi32, #tpu.memory_space<vmem>>)
      tpu.yield
    }) : () -> ()
    "tpu.region"() ({
      %run_scoped3A = tpu.sem_alloc : memref<!tpu.dma_semaphore, #tpu.memory_space<semaphore_mem>>
      tpu.enqueue_dma source(%arg6 : memref<256xi32, #tpu.memory_space<hbm>>) target(%arg19 : memref<256xi32, #tpu.memory_space<vmem>>) target_semaphore(%run_scoped3A : memref<!tpu.dma_semaphore, #tpu.memory_space<semaphore_mem>>)
      tpu.wait_dma2 semaphore(%run_scoped3A : memref<!tpu.dma_semaphore, #tpu.memory_space<semaphore_mem>>) src(%arg6 : memref<256xi32, #tpu.memory_space<hbm>>) dst(%arg19 : memref<256xi32, #tpu.memory_space<vmem>>)
      tpu.yield
    }) : () -> ()
    "tpu.region"() ({
      %run_scoped3A = tpu.sem_alloc : memref<!tpu.dma_semaphore, #tpu.memory_space<semaphore_mem>>
      tpu.enqueue_dma source(%arg7 : memref<256xi32, #tpu.memory_space<hbm>>) target(%arg20 : memref<256xi32, #tpu.memory_space<vmem>>) target_semaphore(%run_scoped3A : memref<!tpu.dma_semaphore, #tpu.memory_space<semaphore_mem>>)
      tpu.wait_dma2 semaphore(%run_scoped3A : memref<!tpu.dma_semaphore, #tpu.memory_space<semaphore_mem>>) src(%arg7 : memref<256xi32, #tpu.memory_space<hbm>>) dst(%arg20 : memref<256xi32, #tpu.memory_space<vmem>>)
      tpu.yield
    }) : () -> ()
    %iota3A = tpu.iota {dimensions = array<i32: 0>} : vector<16xi32>
    %eq3A = arith.constant 0 : i32
    %eq3A_3 = vector.broadcast %eq3A : i32 to vector<16xi32>
    %eq3A_4 = arith.cmpi eq, %iota3A, %eq3A_3 : vector<16xi32>
    %jit3A = arith.constant 1.000000e+00 : f32
    %jit3A_5 = arith.constant 0.000000e+00 : f32
    %broadcast_in_dim3A = vector.broadcast %jit3A : f32 to vector<16xf32>
    %broadcast_in_dim3A_6 = vector.broadcast %jit3A_5 : f32 to vector<16xf32>
    %select_n3A = arith.select %eq3A_4, %broadcast_in_dim3A, %broadcast_in_dim3A_6 : vector<16xi1>, vector<16xf32>
    %broadcast_in_dim3A_7 = arith.constant 0.000000e+00 : f32
    %broadcast_in_dim3A_8 = vector.broadcast %broadcast_in_dim3A_7 : f32 to vector<16xf32>
    %scan3A = arith.constant 0 : i32
    %scan3A_9 = arith.constant 0 : i32
    %scan3A_10 = arith.constant 65 : i32
    %scan3A_11 = arith.addi %scan3A_9, %scan3A_10 : i32
    %scan3A_12 = arith.constant 1 : i32
    %scan3A_13 = scf.for %scan3A_163 = %scan3A_9 to %scan3A_11 step %scan3A_12 iter_args(%scan3A_164 = %scan3A) -> (i32)  : i32 {
      %swap3A_165 = arith.index_cast %scan3A_163 : i32 to index
      %swap3A_166 = arith.constant 0 : index
      %swap3A_167 = tpu.vector_load %arg18[%swap3A_165, %swap3A_166] {strides = array<i32>} : memref<65x128xf32, #tpu.memory_space<vmem>>, vector<16xf32>,
      tpu.vector_store %arg18[%swap3A_165, %swap3A_166], %broadcast_in_dim3A_8 {strides = array<i32>} : memref<65x128xf32, #tpu.memory_space<vmem>>, vector<16xf32>,
      %swap3A_168 = arith.index_cast %scan3A_163 : i32 to index
      %swap3A_169 = arith.constant 16 : index
      %swap3A_170 = tpu.vector_load %arg18[%swap3A_168, %swap3A_169] {strides = array<i32>} : memref<65x128xf32, #tpu.memory_space<vmem>>, vector<16xf32>,
      tpu.vector_store %arg18[%swap3A_168, %swap3A_169], %broadcast_in_dim3A_8 {strides = array<i32>} : memref<65x128xf32, #tpu.memory_space<vmem>>, vector<16xf32>,
      %swap3A_171 = arith.index_cast %scan3A_163 : i32 to index
      %swap3A_172 = arith.constant 32 : index
      %swap3A_173 = tpu.vector_load %arg18[%swap3A_171, %swap3A_172] {strides = array<i32>} : memref<65x128xf32, #tpu.memory_space<vmem>>, vector<16xf32>,
      tpu.vector_store %arg18[%swap3A_171, %swap3A_172], %broadcast_in_dim3A_8 {strides = array<i32>} : memref<65x128xf32, #tpu.memory_space<vmem>>, vector<16xf32>,
      %swap3A_174 = arith.index_cast %scan3A_163 : i32 to index
      %swap3A_175 = arith.constant 48 : index
      %swap3A_176 = tpu.vector_load %arg18[%swap3A_174, %swap3A_175] {strides = array<i32>} : memref<65x128xf32, #tpu.memory_space<vmem>>, vector<16xf32>,
      tpu.vector_store %arg18[%swap3A_174, %swap3A_175], %broadcast_in_dim3A_8 {strides = array<i32>} : memref<65x128xf32, #tpu.memory_space<vmem>>, vector<16xf32>,
      %swap3A_177 = arith.index_cast %scan3A_163 : i32 to index
      %swap3A_178 = arith.constant 64 : index
      %swap3A_179 = tpu.vector_load %arg18[%swap3A_177, %swap3A_178] {strides = array<i32>} : memref<65x128xf32, #tpu.memory_space<vmem>>, vector<16xf32>,
      tpu.vector_store %arg18[%swap3A_177, %swap3A_178], %broadcast_in_dim3A_8 {strides = array<i32>} : memref<65x128xf32, #tpu.memory_space<vmem>>, vector<16xf32>,
      %swap3A_180 = arith.index_cast %scan3A_163 : i32 to index
      %swap3A_181 = arith.constant 80 : index
      %swap3A_182 = tpu.vector_load %arg18[%swap3A_180, %swap3A_181] {strides = array<i32>} : memref<65x128xf32, #tpu.memory_space<vmem>>, vector<16xf32>,
      tpu.vector_store %arg18[%swap3A_180, %swap3A_181], %broadcast_in_dim3A_8 {strides = array<i32>} : memref<65x128xf32, #tpu.memory_space<vmem>>, vector<16xf32>,
      %swap3A_183 = arith.index_cast %scan3A_163 : i32 to index
      %swap3A_184 = arith.constant 96 : index
      %swap3A_185 = tpu.vector_load %arg18[%swap3A_183, %swap3A_184] {strides = array<i32>} : memref<65x128xf32, #tpu.memory_space<vmem>>, vector<16xf32>,
      tpu.vector_store %arg18[%swap3A_183, %swap3A_184], %broadcast_in_dim3A_8 {strides = array<i32>} : memref<65x128xf32, #tpu.memory_space<vmem>>, vector<16xf32>,
      %swap3A_186 = arith.index_cast %scan3A_163 : i32 to index
      %swap3A_187 = arith.constant 112 : index
      %swap3A_188 = tpu.vector_load %arg18[%swap3A_186, %swap3A_187] {strides = array<i32>} : memref<65x128xf32, #tpu.memory_space<vmem>>, vector<16xf32>,
      tpu.vector_store %arg18[%swap3A_186, %swap3A_187], %broadcast_in_dim3A_8 {strides = array<i32>} : memref<65x128xf32, #tpu.memory_space<vmem>>, vector<16xf32>,
      %scan3A_189 = arith.constant 0 : i32
      scf.yield %scan3A_189 : i32
    }
    %scan3A_14 = arith.constant 65 : i32
    %scan3A_15 = arith.constant 0 : i32
    %scan3A_16 = arith.constant 0 : i32
    %scan3A_17 = arith.constant 16 : i32
    %scan3A_18 = arith.addi %scan3A_16, %scan3A_17 : i32
    %scan3A_19 = arith.constant 1 : i32
    %scan3A_20 = scf.for %scan3A_163 = %scan3A_16 to %scan3A_18 step %scan3A_19 iter_args(%scan3A_164 = %scan3A_15) -> (i32)  : i32 {
      %swap3A_165 = arith.index_cast %scan3A_163 : i32 to index
      %swap3A_166 = arith.constant 0 : index
      %swap3A_167 = tpu.vector_load %arg17[%swap3A_165, %swap3A_166] {strides = array<i32>} : memref<16x128xf32, #tpu.memory_space<vmem>>, vector<16xf32>,
      tpu.vector_store %arg17[%swap3A_165, %swap3A_166], %select_n3A {strides = array<i32>} : memref<16x128xf32, #tpu.memory_space<vmem>>, vector<16xf32>,
      %swap3A_168 = arith.index_cast %scan3A_163 : i32 to index
      %swap3A_169 = arith.constant 16 : index
      %swap3A_170 = tpu.vector_load %arg17[%swap3A_168, %swap3A_169] {strides = array<i32>} : memref<16x128xf32, #tpu.memory_space<vmem>>, vector<16xf32>,
      tpu.vector_store %arg17[%swap3A_168, %swap3A_169], %broadcast_in_dim3A_8 {strides = array<i32>} : memref<16x128xf32, #tpu.memory_space<vmem>>, vector<16xf32>,
      %swap3A_171 = arith.index_cast %scan3A_163 : i32 to index
      %swap3A_172 = arith.constant 32 : index
      %swap3A_173 = tpu.vector_load %arg17[%swap3A_171, %swap3A_172] {strides = array<i32>} : memref<16x128xf32, #tpu.memory_space<vmem>>, vector<16xf32>,
      tpu.vector_store %arg17[%swap3A_171, %swap3A_172], %broadcast_in_dim3A_8 {strides = array<i32>} : memref<16x128xf32, #tpu.memory_space<vmem>>, vector<16xf32>,
      %swap3A_174 = arith.index_cast %scan3A_163 : i32 to index
      %swap3A_175 = arith.constant 48 : index
      %swap3A_176 = tpu.vector_load %arg17[%swap3A_174, %swap3A_175] {strides = array<i32>} : memref<16x128xf32, #tpu.memory_space<vmem>>, vector<16xf32>,
      tpu.vector_store %arg17[%swap3A_174, %swap3A_175], %broadcast_in_dim3A_8 {strides = array<i32>} : memref<16x128xf32, #tpu.memory_space<vmem>>, vector<16xf32>,
      %swap3A_177 = arith.index_cast %scan3A_163 : i32 to index
      %swap3A_178 = arith.constant 64 : index
      %swap3A_179 = tpu.vector_load %arg17[%swap3A_177, %swap3A_178] {strides = array<i32>} : memref<16x128xf32, #tpu.memory_space<vmem>>, vector<16xf32>,
      tpu.vector_store %arg17[%swap3A_177, %swap3A_178], %broadcast_in_dim3A_8 {strides = array<i32>} : memref<16x128xf32, #tpu.memory_space<vmem>>, vector<16xf32>,
      %swap3A_180 = arith.index_cast %scan3A_163 : i32 to index
      %swap3A_181 = arith.constant 80 : index
      %swap3A_182 = tpu.vector_load %arg17[%swap3A_180, %swap3A_181] {strides = array<i32>} : memref<16x128xf32, #tpu.memory_space<vmem>>, vector<16xf32>,
      tpu.vector_store %arg17[%swap3A_180, %swap3A_181], %broadcast_in_dim3A_8 {strides = array<i32>} : memref<16x128xf32, #tpu.memory_space<vmem>>, vector<16xf32>,
      %swap3A_183 = arith.index_cast %scan3A_163 : i32 to index
      %swap3A_184 = arith.constant 96 : index
      %swap3A_185 = tpu.vector_load %arg17[%swap3A_183, %swap3A_184] {strides = array<i32>} : memref<16x128xf32, #tpu.memory_space<vmem>>, vector<16xf32>,
      tpu.vector_store %arg17[%swap3A_183, %swap3A_184], %broadcast_in_dim3A_8 {strides = array<i32>} : memref<16x128xf32, #tpu.memory_space<vmem>>, vector<16xf32>,
      %swap3A_186 = arith.index_cast %scan3A_163 : i32 to index
      %swap3A_187 = arith.constant 112 : index
      %swap3A_188 = tpu.vector_load %arg17[%swap3A_186, %swap3A_187] {strides = array<i32>} : memref<16x128xf32, #tpu.memory_space<vmem>>, vector<16xf32>,
      tpu.vector_store %arg17[%swap3A_186, %swap3A_187], %broadcast_in_dim3A_8 {strides = array<i32>} : memref<16x128xf32, #tpu.memory_space<vmem>>, vector<16xf32>,
      %scan3A_189 = arith.constant 0 : i32
      scf.yield %scan3A_189 : i32
    }
    %scan3A_21 = arith.constant 16 : i32
    %mul3A_22 = arith.constant 129 : i32
    %mul3A_23 = arith.muli %arg1, %mul3A_22 : i32
    "tpu.region"() ({
      %run_scoped3A = tpu.sem_alloc : memref<!tpu.dma_semaphore, #tpu.memory_space<semaphore_mem>>
      %dma_start3A = arith.constant 0 : i32
      %dma_start3A_163 = tpu.memref_slice %arg23[%mul3A_23, %dma_start3A] : memref<2064x128xf32, #tpu.memory_space<vmem_shared>> -> memref<65x128xf32, #tpu.memory_space<vmem_shared>>
      %dma_start3A_164 = arith.constant 0 : i32
      %dma_start3A_165 = tpu.memref_slice %arg23[%mul3A_23, %dma_start3A_164] : memref<2064x128xf32, #tpu.memory_space<vmem_shared>> -> memref<65x128xf32, #tpu.memory_space<vmem_shared>>
      tpu.enqueue_dma source(%arg18 : memref<65x128xf32, #tpu.memory_space<vmem>>) target(%dma_start3A_165 : memref<65x128xf32, #tpu.memory_space<vmem_shared>>) target_semaphore(%run_scoped3A : memref<!tpu.dma_semaphore, #tpu.memory_space<semaphore_mem>>)
      %dma_wait3A = arith.constant 0 : i32
      %dma_wait3A_166 = tpu.memref_slice %arg23[%mul3A_23, %dma_wait3A] : memref<2064x128xf32, #tpu.memory_space<vmem_shared>> -> memref<65x128xf32, #tpu.memory_space<vmem_shared>>
      %dma_wait3A_167 = arith.constant 0 : i32
      %dma_wait3A_168 = tpu.memref_slice %arg23[%mul3A_23, %dma_wait3A_167] : memref<2064x128xf32, #tpu.memory_space<vmem_shared>> -> memref<65x128xf32, #tpu.memory_space<vmem_shared>>
      tpu.wait_dma2 semaphore(%run_scoped3A : memref<!tpu.dma_semaphore, #tpu.memory_space<semaphore_mem>>) src(%arg18 : memref<65x128xf32, #tpu.memory_space<vmem>>) dst(%dma_wait3A_168 : memref<65x128xf32, #tpu.memory_space<vmem_shared>>)
      tpu.yield
    }) : () -> ()
    %add3A_24 = arith.constant 65 : i32
    %add3A_25 = arith.addi %mul3A_23, %add3A_24 : i32
    "tpu.region"() ({
      %run_scoped3A = tpu.sem_alloc : memref<!tpu.dma_semaphore, #tpu.memory_space<semaphore_mem>>
      %dma_start3A = arith.constant 0 : i32
      %dma_start3A_163 = arith.constant 0 : i32
      %dma_start3A_164 = tpu.memref_slice %arg18[%dma_start3A, %dma_start3A_163] : memref<65x128xf32, #tpu.memory_space<vmem>> -> memref<64x128xf32, #tpu.memory_space<vmem>>
      %dma_start3A_165 = arith.constant 0 : i32
      %dma_start3A_166 = tpu.memref_slice %arg23[%add3A_25, %dma_start3A_165] : memref<2064x128xf32, #tpu.memory_space<vmem_shared>> -> memref<64x128xf32, #tpu.memory_space<vmem_shared>>
      %dma_start3A_167 = arith.constant 0 : i32
      %dma_start3A_168 = tpu.memref_slice %arg23[%add3A_25, %dma_start3A_167] : memref<2064x128xf32, #tpu.memory_space<vmem_shared>> -> memref<64x128xf32, #tpu.memory_space<vmem_shared>>
      %dma_start3A_169 = arith.constant 0 : i32
      %dma_start3A_170 = arith.constant 0 : i32
      %dma_start3A_171 = tpu.memref_slice %arg18[%dma_start3A_169, %dma_start3A_170] : memref<65x128xf32, #tpu.memory_space<vmem>> -> memref<64x128xf32, #tpu.memory_space<vmem>>
      tpu.enqueue_dma source(%dma_start3A_171 : memref<64x128xf32, #tpu.memory_space<vmem>>) target(%dma_start3A_168 : memref<64x128xf32, #tpu.memory_space<vmem_shared>>) target_semaphore(%run_scoped3A : memref<!tpu.dma_semaphore, #tpu.memory_space<semaphore_mem>>)
      %dma_wait3A = arith.constant 0 : i32
      %dma_wait3A_172 = arith.constant 0 : i32
      %dma_wait3A_173 = tpu.memref_slice %arg18[%dma_wait3A, %dma_wait3A_172] : memref<65x128xf32, #tpu.memory_space<vmem>> -> memref<64x128xf32, #tpu.memory_space<vmem>>
      %dma_wait3A_174 = arith.constant 0 : i32
      %dma_wait3A_175 = tpu.memref_slice %arg23[%add3A_25, %dma_wait3A_174] : memref<2064x128xf32, #tpu.memory_space<vmem_shared>> -> memref<64x128xf32, #tpu.memory_space<vmem_shared>>
      %dma_wait3A_176 = arith.constant 0 : i32
      %dma_wait3A_177 = tpu.memref_slice %arg23[%add3A_25, %dma_wait3A_176] : memref<2064x128xf32, #tpu.memory_space<vmem_shared>> -> memref<64x128xf32, #tpu.memory_space<vmem_shared>>
      %dma_wait3A_178 = arith.constant 0 : i32
      %dma_wait3A_179 = arith.constant 0 : i32
      %dma_wait3A_180 = tpu.memref_slice %arg18[%dma_wait3A_178, %dma_wait3A_179] : memref<65x128xf32, #tpu.memory_space<vmem>> -> memref<64x128xf32, #tpu.memory_space<vmem>>
      tpu.wait_dma2 semaphore(%run_scoped3A : memref<!tpu.dma_semaphore, #tpu.memory_space<semaphore_mem>>) src(%dma_wait3A_180 : memref<64x128xf32, #tpu.memory_space<vmem>>) dst(%dma_wait3A_177 : memref<64x128xf32, #tpu.memory_space<vmem_shared>>)
      tpu.yield
    }) : () -> ()
    "tpu.region"() ({
      %run_scoped3A = tpu.sem_alloc : memref<!tpu.dma_semaphore, #tpu.memory_space<semaphore_mem>>
      %dma_start3A = arith.constant 0 : i32
      %dma_start3A_163 = tpu.memref_slice %arg24[%mul3A_23, %dma_start3A] : memref<2064x128xf32, #tpu.memory_space<vmem_shared>> -> memref<65x128xf32, #tpu.memory_space<vmem_shared>>
      %dma_start3A_164 = arith.constant 0 : i32
      %dma_start3A_165 = tpu.memref_slice %arg24[%mul3A_23, %dma_start3A_164] : memref<2064x128xf32, #tpu.memory_space<vmem_shared>> -> memref<65x128xf32, #tpu.memory_space<vmem_shared>>
      tpu.enqueue_dma source(%arg18 : memref<65x128xf32, #tpu.memory_space<vmem>>) target(%dma_start3A_165 : memref<65x128xf32, #tpu.memory_space<vmem_shared>>) target_semaphore(%run_scoped3A : memref<!tpu.dma_semaphore, #tpu.memory_space<semaphore_mem>>)
      %dma_wait3A = arith.constant 0 : i32
      %dma_wait3A_166 = tpu.memref_slice %arg24[%mul3A_23, %dma_wait3A] : memref<2064x128xf32, #tpu.memory_space<vmem_shared>> -> memref<65x128xf32, #tpu.memory_space<vmem_shared>>
      %dma_wait3A_167 = arith.constant 0 : i32
      %dma_wait3A_168 = tpu.memref_slice %arg24[%mul3A_23, %dma_wait3A_167] : memref<2064x128xf32, #tpu.memory_space<vmem_shared>> -> memref<65x128xf32, #tpu.memory_space<vmem_shared>>
      tpu.wait_dma2 semaphore(%run_scoped3A : memref<!tpu.dma_semaphore, #tpu.memory_space<semaphore_mem>>) src(%arg18 : memref<65x128xf32, #tpu.memory_space<vmem>>) dst(%dma_wait3A_168 : memref<65x128xf32, #tpu.memory_space<vmem_shared>>)
      tpu.yield
    }) : () -> ()
    %add3A_26 = arith.constant 65 : i32
    %add3A_27 = arith.addi %mul3A_23, %add3A_26 : i32
    "tpu.region"() ({
      %run_scoped3A = tpu.sem_alloc : memref<!tpu.dma_semaphore, #tpu.memory_space<semaphore_mem>>
      %dma_start3A = arith.constant 0 : i32
      %dma_start3A_163 = arith.constant 0 : i32
      %dma_start3A_164 = tpu.memref_slice %arg18[%dma_start3A, %dma_start3A_163] : memref<65x128xf32, #tpu.memory_space<vmem>> -> memref<64x128xf32, #tpu.memory_space<vmem>>
      %dma_start3A_165 = arith.constant 0 : i32
      %dma_start3A_166 = tpu.memref_slice %arg24[%add3A_27, %dma_start3A_165] : memref<2064x128xf32, #tpu.memory_space<vmem_shared>> -> memref<64x128xf32, #tpu.memory_space<vmem_shared>>
      %dma_start3A_167 = arith.constant 0 : i32
      %dma_start3A_168 = tpu.memref_slice %arg24[%add3A_27, %dma_start3A_167] : memref<2064x128xf32, #tpu.memory_space<vmem_shared>> -> memref<64x128xf32, #tpu.memory_space<vmem_shared>>
      %dma_start3A_169 = arith.constant 0 : i32
      %dma_start3A_170 = arith.constant 0 : i32
      %dma_start3A_171 = tpu.memref_slice %arg18[%dma_start3A_169, %dma_start3A_170] : memref<65x128xf32, #tpu.memory_space<vmem>> -> memref<64x128xf32, #tpu.memory_space<vmem>>
      tpu.enqueue_dma source(%dma_start3A_171 : memref<64x128xf32, #tpu.memory_space<vmem>>) target(%dma_start3A_168 : memref<64x128xf32, #tpu.memory_space<vmem_shared>>) target_semaphore(%run_scoped3A : memref<!tpu.dma_semaphore, #tpu.memory_space<semaphore_mem>>)
      %dma_wait3A = arith.constant 0 : i32
      %dma_wait3A_172 = arith.constant 0 : i32
      %dma_wait3A_173 = tpu.memref_slice %arg18[%dma_wait3A, %dma_wait3A_172] : memref<65x128xf32, #tpu.memory_space<vmem>> -> memref<64x128xf32, #tpu.memory_space<vmem>>
      %dma_wait3A_174 = arith.constant 0 : i32
      %dma_wait3A_175 = tpu.memref_slice %arg24[%add3A_27, %dma_wait3A_174] : memref<2064x128xf32, #tpu.memory_space<vmem_shared>> -> memref<64x128xf32, #tpu.memory_space<vmem_shared>>
      %dma_wait3A_176 = arith.constant 0 : i32
      %dma_wait3A_177 = tpu.memref_slice %arg24[%add3A_27, %dma_wait3A_176] : memref<2064x128xf32, #tpu.memory_space<vmem_shared>> -> memref<64x128xf32, #tpu.memory_space<vmem_shared>>
      %dma_wait3A_178 = arith.constant 0 : i32
      %dma_wait3A_179 = arith.constant 0 : i32
      %dma_wait3A_180 = tpu.memref_slice %arg18[%dma_wait3A_178, %dma_wait3A_179] : memref<65x128xf32, #tpu.memory_space<vmem>> -> memref<64x128xf32, #tpu.memory_space<vmem>>
      tpu.wait_dma2 semaphore(%run_scoped3A : memref<!tpu.dma_semaphore, #tpu.memory_space<semaphore_mem>>) src(%dma_wait3A_180 : memref<64x128xf32, #tpu.memory_space<vmem>>) dst(%dma_wait3A_177 : memref<64x128xf32, #tpu.memory_space<vmem_shared>>)
      tpu.yield
    }) : () -> ()
    %scan3A_28 = arith.constant 0 : i32
    %scan3A_29 = arith.constant 0 : i32
    %scan3A_30 = arith.constant 125 : i32
    %scan3A_31 = arith.addi %scan3A_29, %scan3A_30 : i32
    %scan3A_32 = arith.constant 1 : i32
    %scan3A_33 = scf.for %scan3A_163 = %scan3A_29 to %scan3A_31 step %scan3A_32 iter_args(%scan3A_164 = %scan3A_28) -> (i32)  : i32 {
      %broadcast_in_dim3A_165 = arith.constant -1 : i32
      %broadcast_in_dim3A_166 = vector.broadcast %broadcast_in_dim3A_165 : i32 to vector<16xi32>
      %mul3A_167 = arith.constant 5 : i32
      %mul3A_168 = arith.muli %scan3A_163, %mul3A_167 : i32
      %add3A_169 = arith.constant 0 : i32
      %add3A_170 = arith.addi %mul3A_168, %add3A_169 : i32
      %mul3A_171 = arith.constant 16 : i32
      %mul3A_172 = arith.muli %add3A_170, %mul3A_171 : i32
      %swap3A_173 = arith.index_cast %mul3A_172 : i32 to index
      %swap3A_174 = tpu.vector_load %arg11[%swap3A_173] {strides = array<i32>} : memref<10000xi32, #tpu.memory_space<vmem>>, vector<16xi32>,
      tpu.vector_store %arg11[%swap3A_173], %broadcast_in_dim3A_166 {strides = array<i32>} : memref<10000xi32, #tpu.memory_space<vmem>>, vector<16xi32>,
      %broadcast_in_dim3A_175 = arith.constant -1 : i32
      %broadcast_in_dim3A_176 = vector.broadcast %broadcast_in_dim3A_175 : i32 to vector<16xi32>
      %mul3A_177 = arith.constant 5 : i32
      %mul3A_178 = arith.muli %scan3A_163, %mul3A_177 : i32
      %add3A_179 = arith.constant 1 : i32
      %add3A_180 = arith.addi %mul3A_178, %add3A_179 : i32
      %mul3A_181 = arith.constant 16 : i32
      %mul3A_182 = arith.muli %add3A_180, %mul3A_181 : i32
      %swap3A_183 = arith.index_cast %mul3A_182 : i32 to index
      %swap3A_184 = tpu.vector_load %arg11[%swap3A_183] {strides = array<i32>} : memref<10000xi32, #tpu.memory_space<vmem>>, vector<16xi32>,
      tpu.vector_store %arg11[%swap3A_183], %broadcast_in_dim3A_176 {strides = array<i32>} : memref<10000xi32, #tpu.memory_space<vmem>>, vector<16xi32>,
      %broadcast_in_dim3A_185 = arith.constant -1 : i32
      %broadcast_in_dim3A_186 = vector.broadcast %broadcast_in_dim3A_185 : i32 to vector<16xi32>
      %mul3A_187 = arith.constant 5 : i32
      %mul3A_188 = arith.muli %scan3A_163, %mul3A_187 : i32
      %add3A_189 = arith.constant 2 : i32
      %add3A_190 = arith.addi %mul3A_188, %add3A_189 : i32
      %mul3A_191 = arith.constant 16 : i32
      %mul3A_192 = arith.muli %add3A_190, %mul3A_191 : i32
      %swap3A_193 = arith.index_cast %mul3A_192 : i32 to index
      %swap3A_194 = tpu.vector_load %arg11[%swap3A_193] {strides = array<i32>} : memref<10000xi32, #tpu.memory_space<vmem>>, vector<16xi32>,
      tpu.vector_store %arg11[%swap3A_193], %broadcast_in_dim3A_186 {strides = array<i32>} : memref<10000xi32, #tpu.memory_space<vmem>>, vector<16xi32>,
      %broadcast_in_dim3A_195 = arith.constant -1 : i32
      %broadcast_in_dim3A_196 = vector.broadcast %broadcast_in_dim3A_195 : i32 to vector<16xi32>
      %mul3A_197 = arith.constant 5 : i32
      %mul3A_198 = arith.muli %scan3A_163, %mul3A_197 : i32
      %add3A_199 = arith.constant 3 : i32
      %add3A_200 = arith.addi %mul3A_198, %add3A_199 : i32
      %mul3A_201 = arith.constant 16 : i32
      %mul3A_202 = arith.muli %add3A_200, %mul3A_201 : i32
      %swap3A_203 = arith.index_cast %mul3A_202 : i32 to index
      %swap3A_204 = tpu.vector_load %arg11[%swap3A_203] {strides = array<i32>} : memref<10000xi32, #tpu.memory_space<vmem>>, vector<16xi32>,
      tpu.vector_store %arg11[%swap3A_203], %broadcast_in_dim3A_196 {strides = array<i32>} : memref<10000xi32, #tpu.memory_space<vmem>>, vector<16xi32>,
      %broadcast_in_dim3A_205 = arith.constant -1 : i32
      %broadcast_in_dim3A_206 = vector.broadcast %broadcast_in_dim3A_205 : i32 to vector<16xi32>
      %mul3A_207 = arith.constant 5 : i32
      %mul3A_208 = arith.muli %scan3A_163, %mul3A_207 : i32
      %add3A_209 = arith.constant 4 : i32
      %add3A_210 = arith.addi %mul3A_208, %add3A_209 : i32
      %mul3A_211 = arith.constant 16 : i32
      %mul3A_212 = arith.muli %add3A_210, %mul3A_211 : i32
      %swap3A_213 = arith.index_cast %mul3A_212 : i32 to index
      %swap3A_214 = tpu.vector_load %arg11[%swap3A_213] {strides = array<i32>} : memref<10000xi32, #tpu.memory_space<vmem>>, vector<16xi32>,
      tpu.vector_store %arg11[%swap3A_213], %broadcast_in_dim3A_206 {strides = array<i32>} : memref<10000xi32, #tpu.memory_space<vmem>>, vector<16xi32>,
      %scan3A_215 = arith.constant 0 : i32
      scf.yield %scan3A_215 : i32
    }
    %scan3A_34 = arith.constant 125 : i32
    %get3A = arith.constant 0 : index
    %get3A_35 = tpu.vector_load %arg19[%get3A] {strides = array<i32>} : memref<256xi32, #tpu.memory_space<vmem>>, vector<16xi32>,
    %get3A_36 = arith.constant 0 : index
    %get3A_37 = tpu.vector_load %arg20[%get3A_36] {strides = array<i32>} : memref<256xi32, #tpu.memory_space<vmem>>, vector<16xi32>,
    tpu.vector_store_idx %arg11[%get3A_35], %get3A_37 : memref<10000xi32, #tpu.memory_space<vmem>>[vector<16xi32>], vector<16xi32>,
    %get3A_38 = arith.constant 16 : index
    %get3A_39 = tpu.vector_load %arg19[%get3A_38] {strides = array<i32>} : memref<256xi32, #tpu.memory_space<vmem>>, vector<16xi32>,
    %get3A_40 = arith.constant 16 : index
    %get3A_41 = tpu.vector_load %arg20[%get3A_40] {strides = array<i32>} : memref<256xi32, #tpu.memory_space<vmem>>, vector<16xi32>,
    tpu.vector_store_idx %arg11[%get3A_39], %get3A_41 : memref<10000xi32, #tpu.memory_space<vmem>>[vector<16xi32>], vector<16xi32>,
    %get3A_42 = arith.constant 32 : index
    %get3A_43 = tpu.vector_load %arg19[%get3A_42] {strides = array<i32>} : memref<256xi32, #tpu.memory_space<vmem>>, vector<16xi32>,
    %get3A_44 = arith.constant 32 : index
    %get3A_45 = tpu.vector_load %arg20[%get3A_44] {strides = array<i32>} : memref<256xi32, #tpu.memory_space<vmem>>, vector<16xi32>,
    tpu.vector_store_idx %arg11[%get3A_43], %get3A_45 : memref<10000xi32, #tpu.memory_space<vmem>>[vector<16xi32>], vector<16xi32>,
    %get3A_46 = arith.constant 48 : index
    %get3A_47 = tpu.vector_load %arg19[%get3A_46] {strides = array<i32>} : memref<256xi32, #tpu.memory_space<vmem>>, vector<16xi32>,
    %get3A_48 = arith.constant 48 : index
    %get3A_49 = tpu.vector_load %arg20[%get3A_48] {strides = array<i32>} : memref<256xi32, #tpu.memory_space<vmem>>, vector<16xi32>,
    tpu.vector_store_idx %arg11[%get3A_47], %get3A_49 : memref<10000xi32, #tpu.memory_space<vmem>>[vector<16xi32>], vector<16xi32>,
    %get3A_50 = arith.constant 64 : index
    %get3A_51 = tpu.vector_load %arg19[%get3A_50] {strides = array<i32>} : memref<256xi32, #tpu.memory_space<vmem>>, vector<16xi32>,
    %get3A_52 = arith.constant 64 : index
    %get3A_53 = tpu.vector_load %arg20[%get3A_52] {strides = array<i32>} : memref<256xi32, #tpu.memory_space<vmem>>, vector<16xi32>,
    tpu.vector_store_idx %arg11[%get3A_51], %get3A_53 : memref<10000xi32, #tpu.memory_space<vmem>>[vector<16xi32>], vector<16xi32>,
    %get3A_54 = arith.constant 80 : index
    %get3A_55 = tpu.vector_load %arg19[%get3A_54] {strides = array<i32>} : memref<256xi32, #tpu.memory_space<vmem>>, vector<16xi32>,
    %get3A_56 = arith.constant 80 : index
    %get3A_57 = tpu.vector_load %arg20[%get3A_56] {strides = array<i32>} : memref<256xi32, #tpu.memory_space<vmem>>, vector<16xi32>,
    tpu.vector_store_idx %arg11[%get3A_55], %get3A_57 : memref<10000xi32, #tpu.memory_space<vmem>>[vector<16xi32>], vector<16xi32>,
    %get3A_58 = arith.constant 96 : index
    %get3A_59 = tpu.vector_load %arg19[%get3A_58] {strides = array<i32>} : memref<256xi32, #tpu.memory_space<vmem>>, vector<16xi32>,
    %get3A_60 = arith.constant 96 : index
    %get3A_61 = tpu.vector_load %arg20[%get3A_60] {strides = array<i32>} : memref<256xi32, #tpu.memory_space<vmem>>, vector<16xi32>,
    tpu.vector_store_idx %arg11[%get3A_59], %get3A_61 : memref<10000xi32, #tpu.memory_space<vmem>>[vector<16xi32>], vector<16xi32>,
    %get3A_62 = arith.constant 112 : index
    %get3A_63 = tpu.vector_load %arg19[%get3A_62] {strides = array<i32>} : memref<256xi32, #tpu.memory_space<vmem>>, vector<16xi32>,
    %get3A_64 = arith.constant 112 : index
    %get3A_65 = tpu.vector_load %arg20[%get3A_64] {strides = array<i32>} : memref<256xi32, #tpu.memory_space<vmem>>, vector<16xi32>,
    tpu.vector_store_idx %arg11[%get3A_63], %get3A_65 : memref<10000xi32, #tpu.memory_space<vmem>>[vector<16xi32>], vector<16xi32>,
    %get3A_66 = arith.constant 128 : index
    %get3A_67 = tpu.vector_load %arg19[%get3A_66] {strides = array<i32>} : memref<256xi32, #tpu.memory_space<vmem>>, vector<16xi32>,
    %get3A_68 = arith.constant 128 : index
    %get3A_69 = tpu.vector_load %arg20[%get3A_68] {strides = array<i32>} : memref<256xi32, #tpu.memory_space<vmem>>, vector<16xi32>,
    tpu.vector_store_idx %arg11[%get3A_67], %get3A_69 : memref<10000xi32, #tpu.memory_space<vmem>>[vector<16xi32>], vector<16xi32>,
    %get3A_70 = arith.constant 144 : index
    %get3A_71 = tpu.vector_load %arg19[%get3A_70] {strides = array<i32>} : memref<256xi32, #tpu.memory_space<vmem>>, vector<16xi32>,
    %get3A_72 = arith.constant 144 : index
    %get3A_73 = tpu.vector_load %arg20[%get3A_72] {strides = array<i32>} : memref<256xi32, #tpu.memory_space<vmem>>, vector<16xi32>,
    tpu.vector_store_idx %arg11[%get3A_71], %get3A_73 : memref<10000xi32, #tpu.memory_space<vmem>>[vector<16xi32>], vector<16xi32>,
    %get3A_74 = arith.constant 160 : index
    %get3A_75 = tpu.vector_load %arg19[%get3A_74] {strides = array<i32>} : memref<256xi32, #tpu.memory_space<vmem>>, vector<16xi32>,
    %get3A_76 = arith.constant 160 : index
    %get3A_77 = tpu.vector_load %arg20[%get3A_76] {strides = array<i32>} : memref<256xi32, #tpu.memory_space<vmem>>, vector<16xi32>,
    tpu.vector_store_idx %arg11[%get3A_75], %get3A_77 : memref<10000xi32, #tpu.memory_space<vmem>>[vector<16xi32>], vector<16xi32>,
    %get3A_78 = arith.constant 176 : index
    %get3A_79 = tpu.vector_load %arg19[%get3A_78] {strides = array<i32>} : memref<256xi32, #tpu.memory_space<vmem>>, vector<16xi32>,
    %get3A_80 = arith.constant 176 : index
    %get3A_81 = tpu.vector_load %arg20[%get3A_80] {strides = array<i32>} : memref<256xi32, #tpu.memory_space<vmem>>, vector<16xi32>,
    tpu.vector_store_idx %arg11[%get3A_79], %get3A_81 : memref<10000xi32, #tpu.memory_space<vmem>>[vector<16xi32>], vector<16xi32>,
    %get3A_82 = arith.constant 192 : index
    %get3A_83 = tpu.vector_load %arg19[%get3A_82] {strides = array<i32>} : memref<256xi32, #tpu.memory_space<vmem>>, vector<16xi32>,
    %get3A_84 = arith.constant 192 : index
    %get3A_85 = tpu.vector_load %arg20[%get3A_84] {strides = array<i32>} : memref<256xi32, #tpu.memory_space<vmem>>, vector<16xi32>,
    tpu.vector_store_idx %arg11[%get3A_83], %get3A_85 : memref<10000xi32, #tpu.memory_space<vmem>>[vector<16xi32>], vector<16xi32>,
    %get3A_86 = arith.constant 208 : index
    %get3A_87 = tpu.vector_load %arg19[%get3A_86] {strides = array<i32>} : memref<256xi32, #tpu.memory_space<vmem>>, vector<16xi32>,
    %get3A_88 = arith.constant 208 : index
    %get3A_89 = tpu.vector_load %arg20[%get3A_88] {strides = array<i32>} : memref<256xi32, #tpu.memory_space<vmem>>, vector<16xi32>,
    tpu.vector_store_idx %arg11[%get3A_87], %get3A_89 : memref<10000xi32, #tpu.memory_space<vmem>>[vector<16xi32>], vector<16xi32>,
    %get3A_90 = arith.constant 224 : index
    %get3A_91 = tpu.vector_load %arg19[%get3A_90] {strides = array<i32>} : memref<256xi32, #tpu.memory_space<vmem>>, vector<16xi32>,
    %get3A_92 = arith.constant 224 : index
    %get3A_93 = tpu.vector_load %arg20[%get3A_92] {strides = array<i32>} : memref<256xi32, #tpu.memory_space<vmem>>, vector<16xi32>,
    tpu.vector_store_idx %arg11[%get3A_91], %get3A_93 : memref<10000xi32, #tpu.memory_space<vmem>>[vector<16xi32>], vector<16xi32>,
    %get3A_94 = arith.constant 240 : index
    %get3A_95 = tpu.vector_load %arg19[%get3A_94] {strides = array<i32>} : memref<256xi32, #tpu.memory_space<vmem>>, vector<16xi32>,
    %get3A_96 = arith.constant 240 : index
    %get3A_97 = tpu.vector_load %arg20[%get3A_96] {strides = array<i32>} : memref<256xi32, #tpu.memory_space<vmem>>, vector<16xi32>,
    tpu.vector_store_idx %arg11[%get3A_95], %get3A_97 : memref<10000xi32, #tpu.memory_space<vmem>>[vector<16xi32>], vector<16xi32>,
    %barrier3A = arith.constant 0 : index
    tpu.barrier barrier_id(%barrier3A)
    %scan3A_98 = arith.constant 0 : i32
    %scan3A_99 = arith.constant 0 : i32
    %scan3A_100 = arith.constant 625 : i32
    %scan3A_101 = arith.addi %scan3A_99, %scan3A_100 : i32
    %scan3A_102 = arith.constant 1 : i32
    %scan3A_103 = scf.for %scan3A_163 = %scan3A_99 to %scan3A_101 step %scan3A_102 iter_args(%scan3A_164 = %scan3A_98) -> (i32)  : i32 {
      %mul3A_165 = arith.constant 16 : i32
      %mul3A_166 = arith.muli %scan3A_163, %mul3A_165 : i32
      %get3A_167 = arith.index_cast %mul3A_166 : i32 to index
      %get3A_168 = tpu.vector_load %arg13[%get3A_167] {strides = array<i32>} : memref<10000xi32, #tpu.memory_space<vmem>>, vector<16xi32>,
      %gather3A = tpu.vector_load_idx %arg11[%get3A_168] : memref<10000xi32, #tpu.memory_space<vmem>>[vector<16xi32>], vector<16xi32>,
      %ge3A_169 = arith.constant 0 : i32
      %ge3A_170 = vector.broadcast %ge3A_169 : i32 to vector<16xi32>
      %ge3A_171 = arith.cmpi sge, %gather3A, %ge3A_170 : vector<16xi32>
      %mul3A_172 = arith.constant 16 : i32
      %mul3A_173 = arith.muli %scan3A_163, %mul3A_172 : i32
      %get3A_174 = arith.index_cast %mul3A_173 : i32 to index
      %get3A_175 = tpu.vector_load %arg14[%get3A_174] {strides = array<i32>} : memref<10000xi32, #tpu.memory_space<vmem>>, vector<16xi32>,
      %mul3A_176 = arith.constant 16 : i32
      %mul3A_177 = arith.muli %scan3A_163, %mul3A_176 : i32
      %get3A_178 = arith.index_cast %mul3A_177 : i32 to index
      %get3A_179 = tpu.vector_load %arg12[%get3A_178] {strides = array<i32>} : memref<10000xi32, #tpu.memory_space<vmem>>, vector<16xi32>,
      %mul3A_180 = arith.constant 256 : i32
      %mul3A_181 = vector.broadcast %mul3A_180 : i32 to vector<16xi32>
      %mul3A_182 = arith.muli %get3A_175, %mul3A_181 : vector<16xi32>
      %add3A_183 = arith.addi %mul3A_182, %gather3A : vector<16xi32>
      %shift_left3A = arith.constant 14 : i32
      %shift_left3A_184 = vector.broadcast %shift_left3A : i32 to vector<16xi32>
      %shift_left3A_185 = arith.shli %add3A_183, %shift_left3A_184 : vector<16xi32>
      %or3A = arith.ori %get3A_179, %shift_left3A_185 : vector<16xi32>
      %swap3A_186 = arith.index_cast %scan3A_164 : i32 to index
      %swap3A_187 = tpu.vector_load %arg15[%swap3A_186] masked %ge3A_171 {strides = array<i32>} : memref<10016xi32, #tpu.memory_space<vmem>>, vector<16xi32>, vector<16xi1>
      tpu.vector_store %arg15[%swap3A_186], %or3A masked %ge3A_171 {strides = array<i32>} : memref<10016xi32, #tpu.memory_space<vmem>>, vector<16xi32>, vector<16xi1>
      %convert_element_type3A_188 = arith.extui %ge3A_171 : vector<16xi1> to vector<16xi32>
      %reduce_sum3A = arith.constant true
      %reduce_sum3A_189 = vector.broadcast %reduce_sum3A : i1 to vector<16xi1>
      %reduce_sum3A_190 = tpu.scan <sum>, %convert_element_type3A_188 masked %reduce_sum3A_189 : vector<16xi32>, vector<16xi1> -> vector<16xi32>
      %reduce_sum3A_191 = vector.extract %reduce_sum3A_190[15] : i32 from vector<16xi32>
      %add3A_192 = arith.addi %scan3A_164, %reduce_sum3A_191 : i32
      scf.yield %add3A_192 : i32
    }
    %scan3A_104 = arith.constant 625 : i32
    %iota3A_105 = tpu.iota {dimensions = array<i32: 0>} : vector<16xi32>
    %ge3A = arith.constant 0 : i32
    %ge3A_106 = vector.broadcast %ge3A : i32 to vector<16xi32>
    %ge3A_107 = arith.cmpi sge, %iota3A_105, %ge3A_106 : vector<16xi32>
    %broadcast_in_dim3A_108 = arith.constant 33554432 : i32
    %broadcast_in_dim3A_109 = vector.broadcast %broadcast_in_dim3A_108 : i32 to vector<16xi32>
    %scan3A_110 = arith.constant 0 : i32
    %scan3A_111 = arith.constant 0 : i32
    %mul3A_112 = arith.constant 16 : i32
    %mul3A_113 = arith.muli %scan3A_111, %mul3A_112 : i32
    %add3A_114 = arith.addi %scan3A_103, %mul3A_113 : i32
    %swap3A = arith.index_cast %add3A_114 : i32 to index
    %swap3A_115 = tpu.vector_load %arg15[%swap3A] masked %ge3A_107 {strides = array<i32>} : memref<10016xi32, #tpu.memory_space<vmem>>, vector<16xi32>, vector<16xi1>
    tpu.vector_store %arg15[%swap3A], %broadcast_in_dim3A_109 masked %ge3A_107 {strides = array<i32>} : memref<10016xi32, #tpu.memory_space<vmem>>, vector<16xi32>, vector<16xi1>
    %scan3A_116 = arith.constant 0 : i32
    %scan3A_117 = arith.constant 1 : i32
    %add3A_118 = arith.constant 16 : i32
    %add3A_119 = arith.addi %scan3A_103, %add3A_118 : i32
    %sub3A = arith.constant 1 : i32
    %sub3A_120 = arith.subi %add3A_119, %sub3A : i32
    %jit3A_121 = arith.constant 16 : i32
    %div3A = arith.divsi %sub3A_120, %jit3A_121 : i32
    %sign3A = arith.constant 0 : i32
    %sign3A_122 = arith.cmpi sgt, %sub3A_120, %sign3A : i32
    %sign3A_123 = arith.extui %sign3A_122 : i1 to i32
    %sign3A_124 = arith.constant 0 : i32
    %sign3A_125 = arith.cmpi slt, %sub3A_120, %sign3A_124 : i32
    %sign3A_126 = arith.extui %sign3A_125 : i1 to i32
    %sign3A_127 = arith.subi %sign3A_123, %sign3A_126 : i32
    %sign3A_128 = arith.constant 0 : i32
    %sign3A_129 = arith.cmpi sgt, %jit3A_121, %sign3A_128 : i32
    %sign3A_130 = arith.extui %sign3A_129 : i1 to i32
    %sign3A_131 = arith.constant 0 : i32
    %sign3A_132 = arith.cmpi slt, %jit3A_121, %sign3A_131 : i32
    %sign3A_133 = arith.extui %sign3A_132 : i1 to i32
    %sign3A_134 = arith.subi %sign3A_130, %sign3A_133 : i32
    %ne3A = arith.cmpi ne, %sign3A_127, %sign3A_134 : i32
    %rem3A = arith.remsi %sub3A_120, %jit3A_121 : i32
    %ne3A_135 = arith.constant 0 : i32
    %ne3A_136 = arith.cmpi ne, %rem3A, %ne3A_135 : i32
    %and3A = arith.andi %ne3A, %ne3A_136 : i1
    %sub3A_137 = arith.constant 1 : i32
    %sub3A_138 = arith.subi %div3A, %sub3A_137 : i32
    %select_n3A_139 = arith.select %and3A, %sub3A_138, %div3A : i32
    %while3A = arith.constant 0 : i32
    %while3A_140 = arith.constant 0 : i32
    %while3A_141 = arith.subi %select_n3A_139, %while3A : i32
    %while3A_142 = arith.addi %while3A, %while3A_141 : i32
    %while3A_143 = arith.constant 1 : i32
    %while3A_144 = arith.divsi %while3A_141, %while3A_143 : i32
    %while3A_145 = arith.muli %while3A_144, %while3A_143 : i32
    %while3A_146 = arith.addi %while3A, %while3A_145 : i32
    %while3A_147 = arith.constant 1 : i32
    %while3A_148 = scf.for %while3A_163 = %while3A to %while3A_146 step %while3A_147 iter_args(%while3A_164 = %while3A_140) -> (i32)  : i32 {
      %mul3A_165 = arith.constant 16 : i32
      %mul3A_166 = arith.muli %while3A_163, %mul3A_165 : i32
      %add3A_167 = arith.constant 0 : i32
      %add3A_168 = arith.addi %mul3A_166, %add3A_167 : i32
      %get3A_169 = arith.index_cast %add3A_168 : i32 to index
      %get3A_170 = tpu.vector_load %arg15[%get3A_169] {strides = array<i32>} : memref<10016xi32, #tpu.memory_space<vmem>>, vector<16xi32>,
      %and3A_171 = arith.constant 16383 : i32
      %and3A_172 = vector.broadcast %and3A_171 : i32 to vector<16xi32>
      %and3A_173 = arith.andi %get3A_170, %and3A_172 : vector<16xi32>
      %swap3A_174 = arith.constant 0 : index
      %swap3A_175 = tpu.vector_load %arg21[%swap3A_174] {strides = array<i32>} : memref<16xi32, #tpu.memory_space<vmem>>, vector<16xi32>,
      tpu.vector_store %arg21[%swap3A_174], %and3A_173 {strides = array<i32>} : memref<16xi32, #tpu.memory_space<vmem>>, vector<16xi32>,
      %shift_right_logical3A = arith.constant 14 : i32
      %shift_right_logical3A_176 = vector.broadcast %shift_right_logical3A : i32 to vector<16xi32>
      %shift_right_logical3A_177 = arith.shrui %get3A_170, %shift_right_logical3A_176 : vector<16xi32>
      %swap3A_178 = arith.constant 0 : index
      %swap3A_179 = tpu.vector_load %arg22[%swap3A_178] {strides = array<i32>} : memref<16xi32, #tpu.memory_space<vmem>>, vector<16xi32>,
      tpu.vector_store %arg22[%swap3A_178], %shift_right_logical3A_177 {strides = array<i32>} : memref<16xi32, #tpu.memory_space<vmem>>, vector<16xi32>,
      %dma_start3A = arith.constant 0 : i32
      %dma_start3A_180 = arith.constant 0 : i32
      %dma_start3A_181 = tpu.memref_slice %arg16[%dma_start3A, %dma_start3A_180] : memref<128x128xf32, #tpu.memory_space<vmem>> -> memref<16x128xf32, #tpu.memory_space<vmem>>
      %dma_start3A_182 = arith.constant 0 : i32
      %dma_start3A_183 = arith.constant 0 : i32
      %dma_start3A_184 = tpu.memref_slice %arg2[%dma_start3A_182, %dma_start3A_183] : memref<10000x128xf32, #tpu.memory_space<hbm>> -> memref<10000x128xf32, #tpu.memory_space<hbm>>
      tpu.enqueue_indirect_dma source(%dma_start3A_184 : memref<10000x128xf32, #tpu.memory_space<hbm>>) target(%dma_start3A_181 : memref<16x128xf32, #tpu.memory_space<vmem>>) offsets(%arg21 : memref<16xi32, #tpu.memory_space<vmem>>) semaphore(%arg25 : memref<!tpu.dma_semaphore, #tpu.memory_space<semaphore_mem>>)
      %dma_wait3A = arith.constant 0 : i32
      %dma_wait3A_185 = arith.constant 0 : i32
      %dma_wait3A_186 = tpu.memref_slice %arg16[%dma_wait3A, %dma_wait3A_185] : memref<128x128xf32, #tpu.memory_space<vmem>> -> memref<16x128xf32, #tpu.memory_space<vmem>>
      %dma_wait3A_187 = arith.constant 0 : i32
      %dma_wait3A_188 = arith.constant 0 : i32
      %dma_wait3A_189 = tpu.memref_slice %arg2[%dma_wait3A_187, %dma_wait3A_188] : memref<10000x128xf32, #tpu.memory_space<hbm>> -> memref<10000x128xf32, #tpu.memory_space<hbm>>
      tpu.wait_indirect_dma semaphore(%arg25 : memref<!tpu.dma_semaphore, #tpu.memory_space<semaphore_mem>>) src(%dma_wait3A_189 : memref<10000x128xf32, #tpu.memory_space<hbm>>) dst(%dma_wait3A_186 : memref<16x128xf32, #tpu.memory_space<vmem>>)
      "tpu.region"() ({
        %run_scoped3A = tpu.sem_alloc : memref<!tpu.dma_semaphore, #tpu.memory_space<semaphore_mem>>
        %dma_start3A_191 = arith.constant 0 : i32
        %dma_start3A_192 = arith.constant 0 : i32
        %dma_start3A_193 = tpu.memref_slice %arg16[%dma_start3A_191, %dma_start3A_192] : memref<128x128xf32, #tpu.memory_space<vmem>> -> memref<16x128xf32, #tpu.memory_space<vmem>>
        %dma_start3A_194 = arith.constant 0 : i32
        %dma_start3A_195 = arith.constant 0 : i32
        %dma_start3A_196 = tpu.memref_slice %arg23[%dma_start3A_194, %dma_start3A_195] : memref<2064x128xf32, #tpu.memory_space<vmem_shared>> -> memref<2064x128xf32, #tpu.memory_space<vmem_shared>>
        tpu.enqueue_indirect_dma source(%dma_start3A_193 : memref<16x128xf32, #tpu.memory_space<vmem>>) target(%dma_start3A_196 : memref<2064x128xf32, #tpu.memory_space<vmem_shared>>) offsets(%arg22 : memref<16xi32, #tpu.memory_space<vmem>>) semaphore(%run_scoped3A : memref<!tpu.dma_semaphore, #tpu.memory_space<semaphore_mem>>) {add = true}
        %dma_wait3A_197 = arith.constant 0 : i32
        %dma_wait3A_198 = arith.constant 0 : i32
        %dma_wait3A_199 = tpu.memref_slice %arg16[%dma_wait3A_197, %dma_wait3A_198] : memref<128x128xf32, #tpu.memory_space<vmem>> -> memref<16x128xf32, #tpu.memory_space<vmem>>
        %dma_wait3A_200 = arith.constant 0 : i32
        %dma_wait3A_201 = arith.constant 0 : i32
        %dma_wait3A_202 = tpu.memref_slice %arg23[%dma_wait3A_200, %dma_wait3A_201] : memref<2064x128xf32, #tpu.memory_space<vmem_shared>> -> memref<2064x128xf32, #tpu.memory_space<vmem_shared>>
        tpu.wait_indirect_dma semaphore(%run_scoped3A : memref<!tpu.dma_semaphore, #tpu.memory_space<semaphore_mem>>) src(%dma_wait3A_199 : memref<16x128xf32, #tpu.memory_space<vmem>>) dst(%dma_wait3A_202 : memref<2064x128xf32, #tpu.memory_space<vmem_shared>>)
        tpu.yield
      }) : () -> ()
      "tpu.region"() ({
        %run_scoped3A = tpu.sem_alloc : memref<!tpu.dma_semaphore, #tpu.memory_space<semaphore_mem>>
        %dma_start3A_191 = arith.constant 0 : i32
        %dma_start3A_192 = arith.constant 0 : i32
        %dma_start3A_193 = tpu.memref_slice %arg24[%dma_start3A_191, %dma_start3A_192] : memref<2064x128xf32, #tpu.memory_space<vmem_shared>> -> memref<2064x128xf32, #tpu.memory_space<vmem_shared>>
        tpu.enqueue_indirect_dma source(%arg17 : memref<16x128xf32, #tpu.memory_space<vmem>>) target(%dma_start3A_193 : memref<2064x128xf32, #tpu.memory_space<vmem_shared>>) offsets(%arg22 : memref<16xi32, #tpu.memory_space<vmem>>) semaphore(%run_scoped3A : memref<!tpu.dma_semaphore, #tpu.memory_space<semaphore_mem>>) {add = true}
        %dma_wait3A_194 = arith.constant 0 : i32
        %dma_wait3A_195 = arith.constant 0 : i32
        %dma_wait3A_196 = tpu.memref_slice %arg24[%dma_wait3A_194, %dma_wait3A_195] : memref<2064x128xf32, #tpu.memory_space<vmem_shared>> -> memref<2064x128xf32, #tpu.memory_space<vmem_shared>>
        tpu.wait_indirect_dma semaphore(%run_scoped3A : memref<!tpu.dma_semaphore, #tpu.memory_space<semaphore_mem>>) src(%arg17 : memref<16x128xf32, #tpu.memory_space<vmem>>) dst(%dma_wait3A_196 : memref<2064x128xf32, #tpu.memory_space<vmem_shared>>)
        tpu.yield
      }) : () -> ()
      %while3A_190 = arith.constant 0 : i32
      scf.yield %while3A_190 : i32
    }
    %while3A_149 = arith.constant 1 : i32
    %while3A_150 = scf.for %while3A_163 = %while3A_146 to %while3A_142 step %while3A_149 iter_args(%while3A_164 = %while3A_148) -> (i32)  : i32 {
      %mul3A_165 = arith.constant 16 : i32
      %mul3A_166 = arith.muli %while3A_163, %mul3A_165 : i32
      %add3A_167 = arith.constant 0 : i32
      %add3A_168 = arith.addi %mul3A_166, %add3A_167 : i32
      %get3A_169 = arith.index_cast %add3A_168 : i32 to index
      %get3A_170 = tpu.vector_load %arg15[%get3A_169] {strides = array<i32>} : memref<10016xi32, #tpu.memory_space<vmem>>, vector<16xi32>,
      %and3A_171 = arith.constant 16383 : i32
      %and3A_172 = vector.broadcast %and3A_171 : i32 to vector<16xi32>
      %and3A_173 = arith.andi %get3A_170, %and3A_172 : vector<16xi32>
      %swap3A_174 = arith.constant 0 : index
      %swap3A_175 = tpu.vector_load %arg21[%swap3A_174] {strides = array<i32>} : memref<16xi32, #tpu.memory_space<vmem>>, vector<16xi32>,
      tpu.vector_store %arg21[%swap3A_174], %and3A_173 {strides = array<i32>} : memref<16xi32, #tpu.memory_space<vmem>>, vector<16xi32>,
      %shift_right_logical3A = arith.constant 14 : i32
      %shift_right_logical3A_176 = vector.broadcast %shift_right_logical3A : i32 to vector<16xi32>
      %shift_right_logical3A_177 = arith.shrui %get3A_170, %shift_right_logical3A_176 : vector<16xi32>
      %swap3A_178 = arith.constant 0 : index
      %swap3A_179 = tpu.vector_load %arg22[%swap3A_178] {strides = array<i32>} : memref<16xi32, #tpu.memory_space<vmem>>, vector<16xi32>,
      tpu.vector_store %arg22[%swap3A_178], %shift_right_logical3A_177 {strides = array<i32>} : memref<16xi32, #tpu.memory_space<vmem>>, vector<16xi32>,
      %dma_start3A = arith.constant 0 : i32
      %dma_start3A_180 = arith.constant 0 : i32
      %dma_start3A_181 = tpu.memref_slice %arg16[%dma_start3A, %dma_start3A_180] : memref<128x128xf32, #tpu.memory_space<vmem>> -> memref<16x128xf32, #tpu.memory_space<vmem>>
      %dma_start3A_182 = arith.constant 0 : i32
      %dma_start3A_183 = arith.constant 0 : i32
      %dma_start3A_184 = tpu.memref_slice %arg2[%dma_start3A_182, %dma_start3A_183] : memref<10000x128xf32, #tpu.memory_space<hbm>> -> memref<10000x128xf32, #tpu.memory_space<hbm>>
      tpu.enqueue_indirect_dma source(%dma_start3A_184 : memref<10000x128xf32, #tpu.memory_space<hbm>>) target(%dma_start3A_181 : memref<16x128xf32, #tpu.memory_space<vmem>>) offsets(%arg21 : memref<16xi32, #tpu.memory_space<vmem>>) semaphore(%arg25 : memref<!tpu.dma_semaphore, #tpu.memory_space<semaphore_mem>>)
      %dma_wait3A = arith.constant 0 : i32
      %dma_wait3A_185 = arith.constant 0 : i32
      %dma_wait3A_186 = tpu.memref_slice %arg16[%dma_wait3A, %dma_wait3A_185] : memref<128x128xf32, #tpu.memory_space<vmem>> -> memref<16x128xf32, #tpu.memory_space<vmem>>
      %dma_wait3A_187 = arith.constant 0 : i32
      %dma_wait3A_188 = arith.constant 0 : i32
      %dma_wait3A_189 = tpu.memref_slice %arg2[%dma_wait3A_187, %dma_wait3A_188] : memref<10000x128xf32, #tpu.memory_space<hbm>> -> memref<10000x128xf32, #tpu.memory_space<hbm>>
      tpu.wait_indirect_dma semaphore(%arg25 : memref<!tpu.dma_semaphore, #tpu.memory_space<semaphore_mem>>) src(%dma_wait3A_189 : memref<10000x128xf32, #tpu.memory_space<hbm>>) dst(%dma_wait3A_186 : memref<16x128xf32, #tpu.memory_space<vmem>>)
      "tpu.region"() ({
        %run_scoped3A = tpu.sem_alloc : memref<!tpu.dma_semaphore, #tpu.memory_space<semaphore_mem>>
        %dma_start3A_191 = arith.constant 0 : i32
        %dma_start3A_192 = arith.constant 0 : i32
        %dma_start3A_193 = tpu.memref_slice %arg16[%dma_start3A_191, %dma_start3A_192] : memref<128x128xf32, #tpu.memory_space<vmem>> -> memref<16x128xf32, #tpu.memory_space<vmem>>
        %dma_start3A_194 = arith.constant 0 : i32
        %dma_start3A_195 = arith.constant 0 : i32
        %dma_start3A_196 = tpu.memref_slice %arg23[%dma_start3A_194, %dma_start3A_195] : memref<2064x128xf32, #tpu.memory_space<vmem_shared>> -> memref<2064x128xf32, #tpu.memory_space<vmem_shared>>
        tpu.enqueue_indirect_dma source(%dma_start3A_193 : memref<16x128xf32, #tpu.memory_space<vmem>>) target(%dma_start3A_196 : memref<2064x128xf32, #tpu.memory_space<vmem_shared>>) offsets(%arg22 : memref<16xi32, #tpu.memory_space<vmem>>) semaphore(%run_scoped3A : memref<!tpu.dma_semaphore, #tpu.memory_space<semaphore_mem>>) {add = true}
        %dma_wait3A_197 = arith.constant 0 : i32
        %dma_wait3A_198 = arith.constant 0 : i32
        %dma_wait3A_199 = tpu.memref_slice %arg16[%dma_wait3A_197, %dma_wait3A_198] : memref<128x128xf32, #tpu.memory_space<vmem>> -> memref<16x128xf32, #tpu.memory_space<vmem>>
        %dma_wait3A_200 = arith.constant 0 : i32
        %dma_wait3A_201 = arith.constant 0 : i32
        %dma_wait3A_202 = tpu.memref_slice %arg23[%dma_wait3A_200, %dma_wait3A_201] : memref<2064x128xf32, #tpu.memory_space<vmem_shared>> -> memref<2064x128xf32, #tpu.memory_space<vmem_shared>>
        tpu.wait_indirect_dma semaphore(%run_scoped3A : memref<!tpu.dma_semaphore, #tpu.memory_space<semaphore_mem>>) src(%dma_wait3A_199 : memref<16x128xf32, #tpu.memory_space<vmem>>) dst(%dma_wait3A_202 : memref<2064x128xf32, #tpu.memory_space<vmem_shared>>)
        tpu.yield
      }) : () -> ()
      "tpu.region"() ({
        %run_scoped3A = tpu.sem_alloc : memref<!tpu.dma_semaphore, #tpu.memory_space<semaphore_mem>>
        %dma_start3A_191 = arith.constant 0 : i32
        %dma_start3A_192 = arith.constant 0 : i32
        %dma_start3A_193 = tpu.memref_slice %arg24[%dma_start3A_191, %dma_start3A_192] : memref<2064x128xf32, #tpu.memory_space<vmem_shared>> -> memref<2064x128xf32, #tpu.memory_space<vmem_shared>>
        tpu.enqueue_indirect_dma source(%arg17 : memref<16x128xf32, #tpu.memory_space<vmem>>) target(%dma_start3A_193 : memref<2064x128xf32, #tpu.memory_space<vmem_shared>>) offsets(%arg22 : memref<16xi32, #tpu.memory_space<vmem>>) semaphore(%run_scoped3A : memref<!tpu.dma_semaphore, #tpu.memory_space<semaphore_mem>>) {add = true}
        %dma_wait3A_194 = arith.constant 0 : i32
        %dma_wait3A_195 = arith.constant 0 : i32
        %dma_wait3A_196 = tpu.memref_slice %arg24[%dma_wait3A_194, %dma_wait3A_195] : memref<2064x128xf32, #tpu.memory_space<vmem_shared>> -> memref<2064x128xf32, #tpu.memory_space<vmem_shared>>
        tpu.wait_indirect_dma semaphore(%run_scoped3A : memref<!tpu.dma_semaphore, #tpu.memory_space<semaphore_mem>>) src(%arg17 : memref<16x128xf32, #tpu.memory_space<vmem>>) dst(%dma_wait3A_196 : memref<2064x128xf32, #tpu.memory_space<vmem_shared>>)
        tpu.yield
      }) : () -> ()
      %while3A_190 = arith.constant 0 : i32
      scf.yield %while3A_190 : i32
    }
    %barrier3A_151 = arith.constant 0 : index
    tpu.barrier barrier_id(%barrier3A_151)
    %mul3A_152 = arith.constant 128 : i32
    %mul3A_153 = arith.muli %arg1, %mul3A_152 : i32
    %mul3A_154 = arith.constant 128 : i32
    %mul3A_155 = arith.muli %arg1, %mul3A_154 : i32
    "tpu.region"() ({
      %run_scoped3A = tpu.sem_alloc : memref<!tpu.dma_semaphore, #tpu.memory_space<semaphore_mem>>
      %dma_start3A = arith.constant 0 : i32
      %dma_start3A_163 = tpu.memref_slice %arg8[%arg0, %mul3A_155, %dma_start3A] : memref<2x2048x128xf32, #tpu.memory_space<hbm>> -> memref<1x128x128xf32, #tpu.memory_space<hbm>>
      %dma_start3A_164 = tpu.memref_squeeze %dma_start3A_163 : memref<1x128x128xf32, #tpu.memory_space<hbm>> -> memref<128x128xf32, #tpu.memory_space<hbm>>
      %dma_start3A_165 = arith.constant 0 : i32
      %dma_start3A_166 = tpu.memref_slice %arg23[%mul3A_153, %dma_start3A_165] : memref<2064x128xf32, #tpu.memory_space<vmem_shared>> -> memref<128x128xf32, #tpu.memory_space<vmem_shared>>
      tpu.enqueue_dma source(%dma_start3A_166 : memref<128x128xf32, #tpu.memory_space<vmem_shared>>) target(%dma_start3A_164 : memref<128x128xf32, #tpu.memory_space<hbm>>) target_semaphore(%run_scoped3A : memref<!tpu.dma_semaphore, #tpu.memory_space<semaphore_mem>>)
      %dma_wait3A = arith.constant 0 : i32
      %dma_wait3A_167 = tpu.memref_slice %arg8[%arg0, %mul3A_155, %dma_wait3A] : memref<2x2048x128xf32, #tpu.memory_space<hbm>> -> memref<1x128x128xf32, #tpu.memory_space<hbm>>
      %dma_wait3A_168 = tpu.memref_squeeze %dma_wait3A_167 : memref<1x128x128xf32, #tpu.memory_space<hbm>> -> memref<128x128xf32, #tpu.memory_space<hbm>>
      %dma_wait3A_169 = arith.constant 0 : i32
      %dma_wait3A_170 = tpu.memref_slice %arg23[%mul3A_153, %dma_wait3A_169] : memref<2064x128xf32, #tpu.memory_space<vmem_shared>> -> memref<128x128xf32, #tpu.memory_space<vmem_shared>>
      tpu.wait_dma2 semaphore(%run_scoped3A : memref<!tpu.dma_semaphore, #tpu.memory_space<semaphore_mem>>) src(%dma_wait3A_170 : memref<128x128xf32, #tpu.memory_space<vmem_shared>>) dst(%dma_wait3A_168 : memref<128x128xf32, #tpu.memory_space<hbm>>)
      tpu.yield
    }) : () -> ()
    %mul3A_156 = arith.constant 128 : i32
    %mul3A_157 = arith.muli %arg1, %mul3A_156 : i32
    %mul3A_158 = arith.constant 128 : i32
    %mul3A_159 = arith.muli %arg1, %mul3A_158 : i32
    "tpu.region"() ({
      %run_scoped3A = tpu.sem_alloc : memref<!tpu.dma_semaphore, #tpu.memory_space<semaphore_mem>>
      %dma_start3A = arith.constant 0 : i32
      %dma_start3A_163 = tpu.memref_slice %arg9[%arg0, %mul3A_159, %dma_start3A] : memref<2x2048x128xf32, #tpu.memory_space<hbm>> -> memref<1x128x128xf32, #tpu.memory_space<hbm>>
      %dma_start3A_164 = tpu.memref_squeeze %dma_start3A_163 : memref<1x128x128xf32, #tpu.memory_space<hbm>> -> memref<128x128xf32, #tpu.memory_space<hbm>>
      %dma_start3A_165 = arith.constant 0 : i32
      %dma_start3A_166 = tpu.memref_slice %arg24[%mul3A_157, %dma_start3A_165] : memref<2064x128xf32, #tpu.memory_space<vmem_shared>> -> memref<128x128xf32, #tpu.memory_space<vmem_shared>>
      tpu.enqueue_dma source(%dma_start3A_166 : memref<128x128xf32, #tpu.memory_space<vmem_shared>>) target(%dma_start3A_164 : memref<128x128xf32, #tpu.memory_space<hbm>>) target_semaphore(%run_scoped3A : memref<!tpu.dma_semaphore, #tpu.memory_space<semaphore_mem>>)
      %dma_wait3A = arith.constant 0 : i32
      %dma_wait3A_167 = tpu.memref_slice %arg9[%arg0, %mul3A_159, %dma_wait3A] : memref<2x2048x128xf32, #tpu.memory_space<hbm>> -> memref<1x128x128xf32, #tpu.memory_space<hbm>>
      %dma_wait3A_168 = tpu.memref_squeeze %dma_wait3A_167 : memref<1x128x128xf32, #tpu.memory_space<hbm>> -> memref<128x128xf32, #tpu.memory_space<hbm>>
      %dma_wait3A_169 = arith.constant 0 : i32
      %dma_wait3A_170 = tpu.memref_slice %arg24[%mul3A_157, %dma_wait3A_169] : memref<2064x128xf32, #tpu.memory_space<vmem_shared>> -> memref<128x128xf32, #tpu.memory_space<vmem_shared>>
      tpu.wait_dma2 semaphore(%run_scoped3A : memref<!tpu.dma_semaphore, #tpu.memory_space<semaphore_mem>>) src(%dma_wait3A_170 : memref<128x128xf32, #tpu.memory_space<vmem_shared>>) dst(%dma_wait3A_168 : memref<128x128xf32, #tpu.memory_space<hbm>>)
      tpu.yield
    }) : () -> ()
    %eq3A_160 = arith.constant 0 : i32
    %eq3A_161 = arith.cmpi eq, %arg1, %eq3A_160 : i32
    %convert_element_type3A = arith.extui %eq3A_161 : i1 to i32
    %cond3A = arith.constant 0 : i32
    %cond3A_162 = arith.cmpi ne, %convert_element_type3A, %cond3A : i32
    scf.if %cond3A_162 {
      %mul3A_163 = arith.constant 128 : i32
      %mul3A_164 = arith.muli %arg0, %mul3A_163 : i32
      %dma_start3A = tpu.memref_slice %arg19[%mul3A_164] : memref<256xi32, #tpu.memory_space<vmem>> -> memref<128xi32, #tpu.memory_space<vmem>>
      %dma_start3A_165 = arith.constant 0 : i32
      %dma_start3A_166 = arith.constant 0 : i32
      %dma_start3A_167 = tpu.memref_slice %arg2[%dma_start3A_165, %dma_start3A_166] : memref<10000x128xf32, #tpu.memory_space<hbm>> -> memref<10000x128xf32, #tpu.memory_space<hbm>>
      tpu.enqueue_indirect_dma source(%dma_start3A_167 : memref<10000x128xf32, #tpu.memory_space<hbm>>) target(%arg16 : memref<128x128xf32, #tpu.memory_space<vmem>>) offsets(%dma_start3A : memref<128xi32, #tpu.memory_space<vmem>>) semaphore(%arg25 : memref<!tpu.dma_semaphore, #tpu.memory_space<semaphore_mem>>)
      %dma_wait3A = tpu.memref_slice %arg19[%mul3A_164] : memref<256xi32, #tpu.memory_space<vmem>> -> memref<128xi32, #tpu.memory_space<vmem>>
      %dma_wait3A_168 = arith.constant 0 : i32
      %dma_wait3A_169 = arith.constant 0 : i32
      %dma_wait3A_170 = tpu.memref_slice %arg2[%dma_wait3A_168, %dma_wait3A_169] : memref<10000x128xf32, #tpu.memory_space<hbm>> -> memref<10000x128xf32, #tpu.memory_space<hbm>>
      tpu.wait_indirect_dma semaphore(%arg25 : memref<!tpu.dma_semaphore, #tpu.memory_space<semaphore_mem>>) src(%dma_wait3A_170 : memref<10000x128xf32, #tpu.memory_space<hbm>>) dst(%arg16 : memref<128x128xf32, #tpu.memory_space<vmem>>)
      %mul3A_171 = arith.constant 128 : i32
      %mul3A_172 = arith.muli %arg0, %mul3A_171 : i32
      "tpu.region"() ({
        %run_scoped3A = tpu.sem_alloc : memref<!tpu.dma_semaphore, #tpu.memory_space<semaphore_mem>>
        %dma_start3A_173 = arith.constant 0 : i32
        %dma_start3A_174 = tpu.memref_slice %arg10[%mul3A_172, %dma_start3A_173] : memref<256x128xf32, #tpu.memory_space<hbm>> -> memref<128x128xf32, #tpu.memory_space<hbm>>
        %dma_start3A_175 = arith.constant 0 : i32
        %dma_start3A_176 = tpu.memref_slice %arg10[%mul3A_172, %dma_start3A_175] : memref<256x128xf32, #tpu.memory_space<hbm>> -> memref<128x128xf32, #tpu.memory_space<hbm>>
        tpu.enqueue_dma source(%arg16 : memref<128x128xf32, #tpu.memory_space<vmem>>) target(%dma_start3A_176 : memref<128x128xf32, #tpu.memory_space<hbm>>) target_semaphore(%run_scoped3A : memref<!tpu.dma_semaphore, #tpu.memory_space<semaphore_mem>>)
        %dma_wait3A_177 = arith.constant 0 : i32
        %dma_wait3A_178 = tpu.memref_slice %arg10[%mul3A_172, %dma_wait3A_177] : memref<256x128xf32, #tpu.memory_space<hbm>> -> memref<128x128xf32, #tpu.memory_space<hbm>>
        %dma_wait3A_179 = arith.constant 0 : i32
        %dma_wait3A_180 = tpu.memref_slice %arg10[%mul3A_172, %dma_wait3A_179] : memref<256x128xf32, #tpu.memory_space<hbm>> -> memref<128x128xf32, #tpu.memory_space<hbm>>
        tpu.wait_dma2 semaphore(%run_scoped3A : memref<!tpu.dma_semaphore, #tpu.memory_space<semaphore_mem>>) src(%arg16 : memref<128x128xf32, #tpu.memory_space<vmem>>) dst(%dma_wait3A_180 : memref<128x128xf32, #tpu.memory_space<hbm>>)
        tpu.yield
      }) : () -> ()
    } else {
    }
    return
  }
}

module attributes {stable_mosaic.version = 14 : i64} {
  func.func @_tc_body(%arg0: memref<2x2048x128xf32, #tpu.memory_space<vmem>>, %arg1: memref<2x2048x128xf32, #tpu.memory_space<vmem>>, %arg2: memref<256x128xf32, #tpu.memory_space<vmem>>, %arg3: memref<8x128x128xf32, #tpu.memory_space<vmem>>, %arg4: memref<128x128xf32, #tpu.memory_space<vmem>>, %arg5: memref<1x256xf32, #tpu.memory_space<vmem>>, %arg6: memref<1x128xf32, #tpu.memory_space<vmem>>) attributes {dimension_semantics = [], scalar_prefetch = 0 : i64, scratch_operands = 0 : i64, tpu.core_type = #tpu.core_type<tc>} {
    %get3A = arith.constant 0 : index
    %get3A_0 = arith.constant 0 : index
    %get3A_1 = arith.constant 0 : index
    %get3A_2 = vector.load %arg0[%get3A, %get3A_0, %get3A_1] : memref<2x2048x128xf32, #tpu.memory_space<vmem>>, vector<1x2048x128xf32>
    %get3A_3 = vector.shape_cast %get3A_2 : vector<1x2048x128xf32> to vector<2048x128xf32>
    %get3A_4 = arith.constant 1 : index
    %get3A_5 = arith.constant 0 : index
    %get3A_6 = arith.constant 0 : index
    %get3A_7 = vector.load %arg0[%get3A_4, %get3A_5, %get3A_6] : memref<2x2048x128xf32, #tpu.memory_space<vmem>>, vector<1x2048x128xf32>
    %get3A_8 = vector.shape_cast %get3A_7 : vector<1x2048x128xf32> to vector<2048x128xf32>
    %add3A = arith.addf %get3A_3, %get3A_8 : vector<2048x128xf32>
    %get3A_9 = arith.constant 0 : index
    %get3A_10 = arith.constant 0 : index
    %get3A_11 = arith.constant 0 : index
    %get3A_12 = vector.load %arg1[%get3A_9, %get3A_10, %get3A_11] : memref<2x2048x128xf32, #tpu.memory_space<vmem>>, vector<1x2048x128xf32>
    %get3A_13 = vector.shape_cast %get3A_12 : vector<1x2048x128xf32> to vector<2048x128xf32>
    %get3A_14 = arith.constant 1 : index
    %get3A_15 = arith.constant 0 : index
    %get3A_16 = arith.constant 0 : index
    %get3A_17 = vector.load %arg1[%get3A_14, %get3A_15, %get3A_16] : memref<2x2048x128xf32, #tpu.memory_space<vmem>>, vector<1x2048x128xf32>
    %get3A_18 = vector.shape_cast %get3A_17 : vector<1x2048x128xf32> to vector<2048x128xf32>
    %add3A_19 = arith.addf %get3A_13, %get3A_18 : vector<2048x128xf32>
    %slice3A = vector.extract_strided_slice %add3A_19 {offsets = [0, 0], sizes = [2048, 1], strides = [1, 1]} : vector<2048x128xf32> to vector<2048x1xf32>
    %max3A = arith.constant 1.000000e+00 : f32
    %max3A_20 = vector.broadcast %max3A : f32 to vector<2048x1xf32>
    %max3A_21 = arith.maximumf %slice3A, %max3A_20 : vector<2048x1xf32>
    %div3A = arith.constant 1.000000e+00 : f32
    %div3A_22 = vector.broadcast %div3A : f32 to vector<2048x1xf32>
    %div3A_23 = arith.divf %div3A_22, %max3A_21 : vector<2048x1xf32>
    %mul3A = vector.broadcast %div3A_23 : vector<2048x1xf32> to vector<2048x128xf32>
    %mul3A_24 = arith.mulf %add3A, %mul3A : vector<2048x128xf32>
    %broadcast_in_dim3A = arith.constant 0.000000e+00 : f32
    %broadcast_in_dim3A_25 = vector.broadcast %broadcast_in_dim3A : f32 to vector<256x128xf32>
    %slice3A_26 = vector.extract_strided_slice %mul3A_24 {offsets = [0, 0], sizes = [256, 128], strides = [1, 1]} : vector<2048x128xf32> to vector<256x128xf32>
    %get3A_27 = arith.constant 0 : index
    %get3A_28 = arith.constant 0 : index
    %get3A_29 = arith.constant 0 : index
    %get3A_30 = vector.load %arg3[%get3A_27, %get3A_28, %get3A_29] : memref<8x128x128xf32, #tpu.memory_space<vmem>>, vector<1x128x128xf32>
    %get3A_31 = vector.shape_cast %get3A_30 : vector<1x128x128xf32> to vector<128x128xf32>
    %dot_general3A = arith.constant dense<0.000000e+00> : vector<256x128xf32>
    %dot_general3A_32 = tpu.matmul %slice3A_26, %get3A_31, %dot_general3A {dimension_numbers = #tpu.dot_dimension_numbers<[1], [0], [0], [1], [0, 0, 1, 1], [], []>, transpose_lhs_hint = false} : vector<256x128xf32>, vector<128x128xf32>, vector<256x128xf32> -> vector<256x128xf32>
    %add3A_33 = arith.addf %broadcast_in_dim3A_25, %dot_general3A_32 : vector<256x128xf32>
    %slice3A_34 = vector.extract_strided_slice %mul3A_24 {offsets = [256, 0], sizes = [256, 128], strides = [1, 1]} : vector<2048x128xf32> to vector<256x128xf32>
    %get3A_35 = arith.constant 1 : index
    %get3A_36 = arith.constant 0 : index
    %get3A_37 = arith.constant 0 : index
    %get3A_38 = vector.load %arg3[%get3A_35, %get3A_36, %get3A_37] : memref<8x128x128xf32, #tpu.memory_space<vmem>>, vector<1x128x128xf32>
    %get3A_39 = vector.shape_cast %get3A_38 : vector<1x128x128xf32> to vector<128x128xf32>
    %dot_general3A_40 = arith.constant dense<0.000000e+00> : vector<256x128xf32>
    %dot_general3A_41 = tpu.matmul %slice3A_34, %get3A_39, %dot_general3A_40 {dimension_numbers = #tpu.dot_dimension_numbers<[1], [0], [0], [1], [0, 0, 1, 1], [], []>, transpose_lhs_hint = false} : vector<256x128xf32>, vector<128x128xf32>, vector<256x128xf32> -> vector<256x128xf32>
    %add3A_42 = arith.addf %add3A_33, %dot_general3A_41 : vector<256x128xf32>
    %slice3A_43 = vector.extract_strided_slice %mul3A_24 {offsets = [512, 0], sizes = [256, 128], strides = [1, 1]} : vector<2048x128xf32> to vector<256x128xf32>
    %get3A_44 = arith.constant 2 : index
    %get3A_45 = arith.constant 0 : index
    %get3A_46 = arith.constant 0 : index
    %get3A_47 = vector.load %arg3[%get3A_44, %get3A_45, %get3A_46] : memref<8x128x128xf32, #tpu.memory_space<vmem>>, vector<1x128x128xf32>
    %get3A_48 = vector.shape_cast %get3A_47 : vector<1x128x128xf32> to vector<128x128xf32>
    %dot_general3A_49 = arith.constant dense<0.000000e+00> : vector<256x128xf32>
    %dot_general3A_50 = tpu.matmul %slice3A_43, %get3A_48, %dot_general3A_49 {dimension_numbers = #tpu.dot_dimension_numbers<[1], [0], [0], [1], [0, 0, 1, 1], [], []>, transpose_lhs_hint = false} : vector<256x128xf32>, vector<128x128xf32>, vector<256x128xf32> -> vector<256x128xf32>
    %add3A_51 = arith.addf %add3A_42, %dot_general3A_50 : vector<256x128xf32>
    %slice3A_52 = vector.extract_strided_slice %mul3A_24 {offsets = [768, 0], sizes = [256, 128], strides = [1, 1]} : vector<2048x128xf32> to vector<256x128xf32>
    %get3A_53 = arith.constant 3 : index
    %get3A_54 = arith.constant 0 : index
    %get3A_55 = arith.constant 0 : index
    %get3A_56 = vector.load %arg3[%get3A_53, %get3A_54, %get3A_55] : memref<8x128x128xf32, #tpu.memory_space<vmem>>, vector<1x128x128xf32>
    %get3A_57 = vector.shape_cast %get3A_56 : vector<1x128x128xf32> to vector<128x128xf32>
    %dot_general3A_58 = arith.constant dense<0.000000e+00> : vector<256x128xf32>
    %dot_general3A_59 = tpu.matmul %slice3A_52, %get3A_57, %dot_general3A_58 {dimension_numbers = #tpu.dot_dimension_numbers<[1], [0], [0], [1], [0, 0, 1, 1], [], []>, transpose_lhs_hint = false} : vector<256x128xf32>, vector<128x128xf32>, vector<256x128xf32> -> vector<256x128xf32>
    %add3A_60 = arith.addf %add3A_51, %dot_general3A_59 : vector<256x128xf32>
    %slice3A_61 = vector.extract_strided_slice %mul3A_24 {offsets = [1024, 0], sizes = [256, 128], strides = [1, 1]} : vector<2048x128xf32> to vector<256x128xf32>
    %get3A_62 = arith.constant 4 : index
    %get3A_63 = arith.constant 0 : index
    %get3A_64 = arith.constant 0 : index
    %get3A_65 = vector.load %arg3[%get3A_62, %get3A_63, %get3A_64] : memref<8x128x128xf32, #tpu.memory_space<vmem>>, vector<1x128x128xf32>
    %get3A_66 = vector.shape_cast %get3A_65 : vector<1x128x128xf32> to vector<128x128xf32>
    %dot_general3A_67 = arith.constant dense<0.000000e+00> : vector<256x128xf32>
    %dot_general3A_68 = tpu.matmul %slice3A_61, %get3A_66, %dot_general3A_67 {dimension_numbers = #tpu.dot_dimension_numbers<[1], [0], [0], [1], [0, 0, 1, 1], [], []>, transpose_lhs_hint = false} : vector<256x128xf32>, vector<128x128xf32>, vector<256x128xf32> -> vector<256x128xf32>
    %add3A_69 = arith.addf %add3A_60, %dot_general3A_68 : vector<256x128xf32>
    %slice3A_70 = vector.extract_strided_slice %mul3A_24 {offsets = [1280, 0], sizes = [256, 128], strides = [1, 1]} : vector<2048x128xf32> to vector<256x128xf32>
    %get3A_71 = arith.constant 5 : index
    %get3A_72 = arith.constant 0 : index
    %get3A_73 = arith.constant 0 : index
    %get3A_74 = vector.load %arg3[%get3A_71, %get3A_72, %get3A_73] : memref<8x128x128xf32, #tpu.memory_space<vmem>>, vector<1x128x128xf32>
    %get3A_75 = vector.shape_cast %get3A_74 : vector<1x128x128xf32> to vector<128x128xf32>
    %dot_general3A_76 = arith.constant dense<0.000000e+00> : vector<256x128xf32>
    %dot_general3A_77 = tpu.matmul %slice3A_70, %get3A_75, %dot_general3A_76 {dimension_numbers = #tpu.dot_dimension_numbers<[1], [0], [0], [1], [0, 0, 1, 1], [], []>, transpose_lhs_hint = false} : vector<256x128xf32>, vector<128x128xf32>, vector<256x128xf32> -> vector<256x128xf32>
    %add3A_78 = arith.addf %add3A_69, %dot_general3A_77 : vector<256x128xf32>
    %slice3A_79 = vector.extract_strided_slice %mul3A_24 {offsets = [1536, 0], sizes = [256, 128], strides = [1, 1]} : vector<2048x128xf32> to vector<256x128xf32>
    %get3A_80 = arith.constant 6 : index
    %get3A_81 = arith.constant 0 : index
    %get3A_82 = arith.constant 0 : index
    %get3A_83 = vector.load %arg3[%get3A_80, %get3A_81, %get3A_82] : memref<8x128x128xf32, #tpu.memory_space<vmem>>, vector<1x128x128xf32>
    %get3A_84 = vector.shape_cast %get3A_83 : vector<1x128x128xf32> to vector<128x128xf32>
    %dot_general3A_85 = arith.constant dense<0.000000e+00> : vector<256x128xf32>
    %dot_general3A_86 = tpu.matmul %slice3A_79, %get3A_84, %dot_general3A_85 {dimension_numbers = #tpu.dot_dimension_numbers<[1], [0], [0], [1], [0, 0, 1, 1], [], []>, transpose_lhs_hint = false} : vector<256x128xf32>, vector<128x128xf32>, vector<256x128xf32> -> vector<256x128xf32>
    %add3A_87 = arith.addf %add3A_78, %dot_general3A_86 : vector<256x128xf32>
    %slice3A_88 = vector.extract_strided_slice %mul3A_24 {offsets = [1792, 0], sizes = [256, 128], strides = [1, 1]} : vector<2048x128xf32> to vector<256x128xf32>
    %get3A_89 = arith.constant 7 : index
    %get3A_90 = arith.constant 0 : index
    %get3A_91 = arith.constant 0 : index
    %get3A_92 = vector.load %arg3[%get3A_89, %get3A_90, %get3A_91] : memref<8x128x128xf32, #tpu.memory_space<vmem>>, vector<1x128x128xf32>
    %get3A_93 = vector.shape_cast %get3A_92 : vector<1x128x128xf32> to vector<128x128xf32>
    %dot_general3A_94 = arith.constant dense<0.000000e+00> : vector<256x128xf32>
    %dot_general3A_95 = tpu.matmul %slice3A_88, %get3A_93, %dot_general3A_94 {dimension_numbers = #tpu.dot_dimension_numbers<[1], [0], [0], [1], [0, 0, 1, 1], [], []>, transpose_lhs_hint = false} : vector<256x128xf32>, vector<128x128xf32>, vector<256x128xf32> -> vector<256x128xf32>
    %add3A_96 = arith.addf %add3A_87, %dot_general3A_95 : vector<256x128xf32>
    %get3A_97 = arith.constant 0 : index
    %get3A_98 = arith.constant 0 : index
    %get3A_99 = vector.load %arg2[%get3A_97, %get3A_98] : memref<256x128xf32, #tpu.memory_space<vmem>>, vector<256x128xf32>
    %get3A_100 = arith.constant 0 : index
    %get3A_101 = arith.constant 0 : index
    %get3A_102 = vector.load %arg4[%get3A_100, %get3A_101] : memref<128x128xf32, #tpu.memory_space<vmem>>, vector<128x128xf32>
    %dot_general3A_103 = arith.constant dense<0.000000e+00> : vector<256x128xf32>
    %dot_general3A_104 = tpu.matmul %get3A_99, %get3A_102, %dot_general3A_103 {dimension_numbers = #tpu.dot_dimension_numbers<[1], [0], [0], [1], [0, 0, 1, 1], [], []>, transpose_lhs_hint = false} : vector<256x128xf32>, vector<128x128xf32>, vector<256x128xf32> -> vector<256x128xf32>
    %add3A_105 = arith.addf %dot_general3A_104, %add3A_96 : vector<256x128xf32>
    %max3A_106 = arith.constant 0.000000e+00 : f32
    %max3A_107 = vector.broadcast %max3A_106 : f32 to vector<256x128xf32>
    %max3A_108 = arith.maximumf %add3A_105, %max3A_107 : vector<256x128xf32>
    %get3A_109 = arith.constant 0 : index
    %get3A_110 = arith.constant 0 : index
    %get3A_111 = vector.load %arg5[%get3A_109, %get3A_110] : memref<1x256xf32, #tpu.memory_space<vmem>>, vector<1x256xf32>
    %dot_general3A_112 = arith.constant dense<0.000000e+00> : vector<1x128xf32>
    %dot_general3A_113 = tpu.matmul %get3A_111, %max3A_108, %dot_general3A_112 {dimension_numbers = #tpu.dot_dimension_numbers<[1], [0], [0], [1], [0, 0, 1, 1], [], []>, transpose_lhs_hint = false} : vector<1x256xf32>, vector<256x128xf32>, vector<1x128xf32> -> vector<1x128xf32>
    %mul3A_114 = arith.constant 3.906250e-03 : f32
    %mul3A_115 = vector.broadcast %mul3A_114 : f32 to vector<1x128xf32>
    %mul3A_116 = arith.mulf %dot_general3A_113, %mul3A_115 : vector<1x128xf32>
    %swap3A = arith.constant 0 : index
    %swap3A_117 = arith.constant 0 : index
    %swap3A_118 = vector.load %arg6[%swap3A, %swap3A_117] : memref<1x128xf32, #tpu.memory_space<vmem>>, vector<1x128xf32>
    tpu.vector_store %arg6[%swap3A, %swap3A_117], %mul3A_116 {strides = array<i32>} : memref<1x128xf32, #tpu.memory_space<vmem>>, vector<1x128xf32>,
    return
  }
}

</mosaic_0001>

<sc_bundles>
// kernel: kernel.4.cloned.1.call-start
scs
__scs_entry_jumppad:
0x0: {  	(pc) =	sbr.rel $0x88, $3  }
0x1: {  	(tag) =	ssettag $0x0;
	lr =	simm.s32 $0x1  }
0x2: {  	[smem:$0x3F9B] =	sst lr;
	_ =	strace $0xD0000000  }
0x3: {  	_ = 	snop  }
0x4: {  	_ = 	snop  }
0x5: {  	_ = 	snop  }
0x6: {  	_ = 	snop  }
0x7: {  	_ = 	snop  }
__scs_overlays_trampoline_lowered:
0x8: {  	[smem:$0x3FAA] =	sst s0  }
0x9: {  	[smem:$0x3FAB] =	sst s1  }
0xa: {  	[smem:$0x3FAC] =	sst s2  }
0xb: {  	[smem:$0x3FAD] =	sst s3  }
0xc: {  	[smem:$0x3FAE] =	sst s4  }
0xd: {  	[smem:$0x3FAF] =	sst s5  }
0xe: {  	[smem:$0x3FB0] =	sst s6  }
0xf: {  	[smem:$0x3FB1] =	sst s7  }
0x10: {  	[smem:$0x3FB2] =	sst s8  }
0x11: {  	[smem:$0x3FB3] =	sst s9;
	s0 =	simm.s32 @!p0 $0x0  }
0x12: {  	s1 =	sld [smem:$0x3F99];
	s0 =	simm.s32 @p0 $0x1  }
0x13: {  	[smem:$0x3FB4] =	sst s0;
	s0 =	simm.s32 @!p1 $0x0  }
0x14: {  	s2 =	sld [smem:$0x3F98];
	s0 =	simm.s32 @p1 $0x1  }
0x15: {  	[smem:$0x3FB5] =	sst s0;
	s0 =	simm.s32 @!p2 $0x0  }
0x16: {  	s3 =	sld [smem:$0x3FDB];
	s0 =	simm.s32 @p2 $0x1  }
0x17: {  	s4 =	simm.s32 $0x1BF5;
	[smem:$0x3FB7] =	sst s0  }
0x18: {  	s0 =	sld [smem:$0x3F9A];
	_ =	swait.ge [sflag:s4], $0x0  }
0x19: {  	s7 =	sld [smem:$0x3F9B]  }
0x1a: {  	s8 =	sadd.s32 $0xFFFFE003, lr  }
0x1b: {  	s9 =	sadd.s32 $0xFFFFFEF7, lr;
	s5 =	simm.s32 $0xFFFFFFFF;
	p2 =	slt.u32 s8, $0xFFFFF086  }
0x1c: {  	p1 =	slt.u32 s9, $0xF7A;
	s5 =	simm.s32 @!p2 $0x0  }
0x1d: {  	s5 =	simm.s32 @p1 $0x1;
	p0 =	seq.s32 s7, s2  }
0x1e: {  	s7 =	smul.u32 @!p0 $0xF7A, s2;
	p2 =	seq.s32 @!p0 s5, $0x0  }
0x1f: {  	s9 =	smul.u32 $0xF7A, s1;
	s8 =	simm.s32 @!p0 $0x1BF5;
	p2 =	por !p2, p0  }
0x20: {  	[sflag:s8] =	ssyncset.s32 @!p0 $0xFFFFF086;
	s6 =	sadd.s32 @!p0 s3, s7;
	s7 =	simm.s32 @!p0 $0x108  }
0x21: {  	s3 =	sadd.s32 s3, s9;
	s6 =	sadd.s32 @!p0 $0x88, s6;
	s7 =	simm.s32 @p2 $0x1082  }
0x22: {  	[simem:s7], [sflag:s8] =	dma.local @!p0 [hbm:s6], $0xF7A  }
0x23: {  	s9 =	sor.u32 $0xD0000000, s2;
	s6 =	simm.s32 $0x108;
	_ =	swait.ge @!p0 [sflag:s8], $0x0  }
0x24: {  	s3 =	sadd.s32 $0x88, s3;
	s6 =	simm.s32 @!p1 $0x1082;
	[sflag:s4] =	ssyncset.s32 $0xFFFFF086  }
0x25: {  	[simem:s6], [sflag:s4] =	dma.local [hbm:s3], $0xF7A  }
0x26: {  	[smem:$0x3F9B] =	sst s1;
	(tag) =	ssettag s2;
	_ =	strace s9  }
0x27: {  	s1 =	sld [smem:$0x3FAB]  }
0x28: {  	s2 =	sld [smem:$0x3FAC]  }
0x29: {  	s4 =	sld [smem:$0x3FAE]  }
0x2a: {  	p0 =	seq.s32 s5, $0x0;
	s5 =	sld [smem:$0x3FAF]  }
0x2b: {  	s6 =	sld [smem:$0x3FB0]  }
0x2c: {  	s7 =	sld [smem:$0x3FB1]  }
0x2d: {  	s3 =	simm.s32 $0x108;
	s8 =	sld [smem:$0x3FB2]  }
0x2e: {  	s3 =	simm.s32 @!p0 $0x1082;
	s9 =	sld [smem:$0x3FB3]  }
0x2f: {  	lr =	sadd.s32 s0, s3;
	s0 =	sld [smem:$0x3FAA]  }
0x30: {  	s3 =	sld [smem:$0x3FAD]  }
0x31: {  	[smem:$0x3FB6] =	sst s10  }
0x32: {  	s10 =	sld [smem:$0x3FB4];
	_ =	sdelay $0x3  }
0x33: {  	p0 =	seq.s32 s10, $0x1;
	s10 =	sld [smem:$0x3FB6];
	_ =	sdelay $0x3  }
0x34: {  	[smem:$0x3FB6] =	sst s10  }
0x35: {  	s10 =	sld [smem:$0x3FB5];
	_ =	sdelay $0x3  }
0x36: {  	p1 =	seq.s32 s10, $0x1;
	s10 =	sld [smem:$0x3FB6];
	_ =	sdelay $0x3  }
0x37: {  	[smem:$0x3FB6] =	sst s10  }
0x38: {  	s10 =	sld [smem:$0x3FB7]  }
0x39: {  	_ = 	snop;
	(pc) =	sbr.ind lr, $3  }
0x3a: {  	_ = 	snop  }
0x3b: {  	_ = 	snop  }
0x3c: {  	p2 =	seq.s32 s10, $0x1;
	s10 =	sld [smem:$0x3FB6]  }
0x3d: {  	_ =	shalt  }
0x3e: {  	_ =	shalt  }
0x3f: {  	_ =	shalt  }
0x40: {  	_ =	shalt  }
0x41: {  	_ =	shalt  }
0x42: {  	_ =	shalt  }
0x43: {  	_ =	shalt  }
0x44: {  	_ =	shalt  }
0x45: {  	_ =	shalt  }
0x46: {  	_ =	shalt  }
0x47: {  	_ =	shalt  }
0x48: {  	_ =	shalt  }
0x49: {  	_ =	shalt  }
0x4a: {  	_ =	shalt  }
0x4b: {  	_ =	shalt  }
0x4c: {  	_ =	shalt  }
0x4d: {  	_ =	shalt  }
0x4e: {  	_ =	shalt  }
0x4f: {  	_ =	shalt  }
0x50: {  	_ =	shalt  }
0x51: {  	_ =	shalt  }
0x52: {  	_ =	shalt  }
0x53: {  	_ =	shalt  }
0x54: {  	_ =	shalt  }
0x55: {  	_ =	shalt  }
0x56: {  	_ =	shalt  }
0x57: {  	_ =	shalt  }
0x58: {  	_ =	shalt  }
0x59: {  	_ =	shalt  }
0x5a: {  	_ =	shalt  }
0x5b: {  	_ =	shalt  }
0x5c: {  	_ =	shalt  }
0x5d: {  	_ =	shalt  }
0x5e: {  	_ =	shalt  }
0x5f: {  	_ =	shalt  }
0x60: {  	_ =	shalt  }
0x61: {  	_ =	shalt  }
0x62: {  	_ =	shalt  }
0x63: {  	_ =	shalt  }
0x64: {  	_ =	shalt  }
0x65: {  	_ =	shalt  }
0x66: {  	_ =	shalt  }
0x67: {  	_ =	shalt  }
0x68: {  	_ =	shalt  }
0x69: {  	_ =	shalt  }
0x6a: {  	_ =	shalt  }
0x6b: {  	_ =	shalt  }
0x6c: {  	_ =	shalt  }
0x6d: {  	_ =	shalt  }
0x6e: {  	_ =	shalt  }
0x6f: {  	_ =	shalt  }
0x70: {  	_ =	shalt  }
0x71: {  	_ =	shalt  }
0x72: {  	_ =	shalt  }
0x73: {  	_ =	shalt  }
0x74: {  	_ =	shalt  }
0x75: {  	_ =	shalt  }
0x76: {  	_ =	shalt  }
0x77: {  	_ =	shalt  }
0x78: {  	_ =	shalt  }
0x79: {  	_ =	shalt  }
0x7a: {  	_ =	shalt  }
0x7b: {  	_ =	shalt  }
0x7c: {  	_ =	shalt  }
0x7d: {  	_ =	shalt  }
0x7e: {  	_ =	shalt  }
0x7f: {  	_ =	shalt  }
0x80: {  	_ =	shalt  }
0x81: {  	_ =	shalt  }
0x82: {  	_ =	shalt  }
0x83: {  	_ =	shalt  }
0x84: {  	_ =	shalt  }
0x85: {  	_ =	shalt  }
0x86: {  	_ =	shalt  }
0x87: {  	_ =	shalt  }
.Lfunc_end0:
.L_simem_size_0:
called_computation_lowered:
.L_overlay_start_0:
0x88: {  	s2 =	sld [smem:$0x3FD9]  }
0x89: {  	s3 =	sld [smem:$0x3FFE];
	_ =	sdelay $0x1  }
0x8a: {  	s1 =	srdreg.scid  }
0x8b: {  	s0 =	sand.u32 $0x1, s1  }
0x8c: {  	s17 =	sshll.u32 s0, $0xA;
	s2 =	sadd.s32 s3, s2  }
0x8d: {  	s2 =	sadd.s32 s2, s17  }
0x8e: {  	[smem:$0x3FC2] =	sst s2  }
0x8f: {  	_ = 	snop  }
0x90: {  	s2 =	sld [smem:$0x3FC9]  }
0x91: {  	s18 =	sld [smem:$0x3FC7]  }
0x92: {  	s4 =	sld [smem:$0x3FC6];
	(tm) =	ssettm $0x1  }
0x93: {  	s5 =	sld [smem:$0x3FFB];
	_ =	sdelay $0x3  }
0x94: {  	_ =	strace s5  }
0x95: {  	s5 =	sld [smem:$0x3FFC];
	_ =	sdelay $0x3  }
0x96: {  	_ =	strace s5  }
0x97: {  	s5 =	sld [smem:$0x3FFD];
	_ =	sdelay $0x3  }
0x98: {  	_ =	strace s5  }
0x99: {  	_ =	strace $0x8FFFFFFF  }
0x9a: {  	s19 =	sld [smem:$0x3FDB];
	_ =	sdelay $0x1  }
0x9b: {  	s6 =	simm.s32 $_scs_section_size  }
0x9c: {  	s7 =	simm.s32 $_size__tile_overlayer_lowered;
	s8 =	simm.s32 $_tile_overlayer_lowered  }
0x9d: {  	s22 =	simm.s32 $0x1BFF;
	s21 =	sshll.u32 s8, $0x1;
	s5 =	sadd.s32 s6, s19  }
0x9e: {  	s9 =	simm.s32 $0x0;
	s20 =	sshll.u32 s7, $0x1;
	s7 =	sadd.s32 s21, s5  }
0x9f: {  	[timem:s9], [sflag:s22] =	dma.local [hbm:s7], s20  }
0xa0: {  	_ =	swait.ge [sflag:s22], s20  }
0xa1: {  	s6 =	ssub.s32 $0x0, s20;
	[sflag:s22] =	ssyncset.done $0x0  }
0xa2: {  	[sflag:s22] =	ssyncadd.s32 s6;
	_ =	sdelay $0x1  }
0xa3: {  	s23 =	simm.s32 $0x1B8B  }
0xa4: {  	_ =	swait.ge [sflag:s23], $0x1  }
0xa5: {  	[sflag:s23] =	ssyncset.done $0x0  }
0xa6: {  	s25 =	simm.s32 $0x1B8E;
	s24 =	sld [smem:$0x3FFE];
	[sflag:s23] =	ssyncadd.s32 $0xFFFFFFFF  }
0xa7: {  	s26 =	simm.s32 $execute0_lowered;
	[smem:$0x3FD2] =	sst s25  }
0xa8: {  	s7 =	sshll.u32 s26, $0x1;
	_ =	strace $0x80000046;
	[dreg:$0x1] =	wrdreg $0xFFFFFFFF  }
0xa9: {  	s28 =	simm.s32 $_size_execute0_lowered;
	s5 =	sadd.s32 s5, s7;
	[dreg:$0x0] =	wrdreg $0x0  }
0xaa: {  	s7 =	sshll.u32 s28, $0x1;
	[dreg:$0x2] =	wrdreg s5  }
0xab: {  	[dreg:$0x3] =	wrdreg s7  }
0xac: {  	[dreg:$0x4] =	wrdreg $0xC0  }
0xad: {  	_ =	task [dreg:s9], $0x5FFFF  }
0xae: {  	[dreg:$0x1] =	wrdreg $0xFFFFFFFF  }
0xaf: {  	[dreg:$0x0] =	wrdreg $0x60  }
0xb0: {  	[dreg:$0x2] =	wrdreg s2  }
0xb1: {  	[dreg:$0x3] =	wrdreg s24  }
0xb2: {  	[dreg:$0x4] =	wrdreg s18  }
0xb3: {  	[dreg:$0x5] =	wrdreg s4  }
0xb4: {  	[dreg:$0x6] =	wrdreg $0x134800  }
0xb5: {  	[dreg:$0x7] =	wrdreg $0x175000  }
0xb6: {  	[dreg:$0x8] =	wrdreg $0x9  }
0xb7: {  	_ =	task.clear_ibuf [dreg:s9], $0x9FFFF;
	_ =	strace $0x90000046  }
0xb8: {  	s29 =	simm.s32 $0x9;
	_ =	strace $0x80000048  }
0xb9: {  	_ =	swait.ge [sflag:s29], $0x1  }
0xba: {  	[sflag:s29] =	ssyncadd.s32 $0xFFFFFFFF  }
0xbb: {  	_ =	strace $0x90000048  }
0xbc: {  	_ =	sfence  }
0xbd: {  	s30 =	sld [smem:$0x0];
	_ =	sdelay $0x2  }
0xbe: {  	s31 =	sshll.u32 s1, $0xD;
	s1 =	sshrl.u32 s1, $0x2  }
0xbf: {  	s3 =	sand.u32 $0x4000, s31;
	s1 =	sadd.s32 s1, s30  }
0xc0: {  	s0 =	sor.u32 s3, s0;
	s1 =	sshll.u32 s1, $0x11  }
0xc1: {  	s0 =	sor.u32 s1, s0  }
0xc2: {  	s0 =	sadd.s32 $0x8F2B, s0  }
0xc3: {  	[sflag:s0] =	ssyncadd.remote.s32 $0x1  }
0xc4: {  	_ =	sfence.sel $0xFFFF  }
0xc5: {  	[dreg:$0x0] =	wrdreg $0xFFFFFFFF;
	(pc) =	sbr.abs _section_cstart, $3  }
0xc6: {  	[dreg:$0x1] =	wrdreg $0xFFFFFFFF  }
0xc7: {  	_ =	task.clear_ibuf [dreg:s9], $0x2FFFF;
	_ =	strace $0x9FFFFFFF  }
0xc8: {  	(tm) =	ssettm $0x7FFFFFFF  }
0xc9: {  	_ =	shalt  }
tec
execute0_lowered:
.L_overlay_start_1:
0x0: {  	(tag) =	ssettag $0x1  }
0x1: {  	s0 =	rddreg [dreg:$0x0]  }
0x2: {  	s1 =	rddreg [dreg:$0x1]  }
0x3: {  	s2 =	rddreg [dreg:$0x2]  }
0x4: {  	s3 =	rddreg [dreg:$0x4]  }
0x5: {  	s4 =	rddreg [dreg:$0x5]  }
0x6: {  	s5 =	srdreg.scid;
	s22 =	stileid.u32;
	s6 =	simm.s32 $0x0  }
0x7: {  	s21 =	simm.s32 $0x2;
	s29 =	simm.s32 $0x10D80;
	s30 =	simm.s32 $0x1  }
0x8: {  	s31 =	simm.s32 $0x10;
	s5 =	sand.u32 $0x1, s5;
	s17 =	sshll.u32 s22, $0xE  }
0x9: {  	[smem:$0x7FF] =	sst s6;
	s23 =	sadd.s32 $0x13C00, s1;
	s13 =	smul.u32 $0x4080, s22  }
0xa: {  	p0 =	sne.s32 s22, $0x0;
	s7 =	sshll.u32 s5, $0x12;
	s8 =	sshll.u32 s5, $0x4  }
0xb: {  	_ =	strace $0x80000047;
	[dreg:$0x7] =	wrdreg s23;
	s24 =	sshll.u32 s5, $0xB  }
0xc: {  	s25 =	ssub.s32 $0x2, s5;
	s28 =	sadd.s32 s17, s3;
	s5 =	sshll.u32 s5, $0x7  }
0xd: {  	s20 =	sadd.s32 s17, s4;
	s23 =	simm.s32 $0x0;
	s7 =	sor.u32 s17, s7  }
0xe: {  	s8 =	sor.u32 s22, s8;
	s18 =	sadd.s32 s24, s1;
	s11 =	sshrl.u32 s25, $0x1  }
0xf: {  	s14 =	sadd.s32 $0x2080, s13;
	s17 =	sadd.s32 $0x13180, s5;
	s24 =	sshrl.u32 s28, $0x3  }
0x10: {  	s22 =	simm.s32 $0x10580;
	s9 =	sshrl.u32 s7, $0x3;
	s10 =	smul.u32 $0x4E2, s8  }
0x11: {  	s26 =	ssub.s32 s25, s11;
	s11 =	sadd.s32 s13, s3;
	s12 =	sadd.s32 s14, s3  }
.Ltmp0:
0x12: {  	s13 =	sadd.s32 s13, s4;
	s14 =	sadd.s32 s14, s4;
	(pc) =	sbr.rel .LBB2_1-.Ltmp0, $4  }
0x13: {  	s18 =	sadd.s32 $0x33E00, s18;
	s25 =	sshrl.u32 s20, $0x3;
	s20 =	simm.s32 $0x13400  }
0x14: {  	s16 =	sadd.s32 s9, s1;
	s19 =	smax.u32 s26, $0x1;
	s8 =	sadd.s32 s1, s10  }
0x15: {  	v0 =	vimm.f32 $0.0e+00;
	vm0 =	vcmask $0x300;
	v2 =	vimm.s32 $0xFFFFFFFF;
	s10 =	sadd.s32 s2, s10;
	s15 =	sadd.s32 $0x13E00, s16;
	s16 =	sadd.s32 $0x23E00, s16  }
0x16: {  	v3 =	vimm.s32 $0x0;
	v4 =	vimm.s32 $0x2000000;
	v1 =	vsel vm0, $0x3F800000, v0;
	s1 =	simm.s32 $0x13380;
	s2 =	simm.s32 $0xC580;
	s9 =	sadd.s32 $0x9E00, s8  }
.LBB2_12:
0x17: {  	[sflag:s21] =	ssyncset.done $0x0  }
0x18: {  	[sflag:s21] =	ssyncadd.s32 $0xFFFFF800  }
.LBB2_13:
0x19: {  	s5 =	stileid.u32  }
0x1a: {  	s5 =	sshll.u32 s5, $0x6  }
0x1b: {  	[bflag:$0x0] =	sbarrier.arrive $0xFFFF;
	s5 =	sor.u32 $0x1C02, s5  }
0x1c: {  	[hbm:s15], [sflag:s5] =	dma.local [spmem:s24], $0x800  }
0x1d: {  	_ =	swait.ge [sflag:s21], $0x800  }
0x1e: {  	[sflag:s21] =	ssyncset.done $0x0  }
0x1f: {  	[sflag:s21] =	ssyncadd.s32 $0xFFFFF800  }
0x20: {  	[hbm:s16], [sflag:s5] =	dma.local [spmem:s25], $0x800  }
0x21: {  	_ =	swait.ge [sflag:s21], $0x800  }
0x22: {  	[sflag:s21] =	ssyncset.done $0x0  }
0x23: {  	s7 =	simm.s32 @!p0 $0xC580;
	s5 =	simm.s32 @!p0 $0x80;
	[sflag:s21] =	ssyncadd.s32 $0xFFFFF800  }
0x24: {  	[tilespmem:s7], [sflag:$0x1] =	stream.indirect.gather @!p0 [hbm4b:s0+s5], $0x80, s17, s5, $0xb8;
	[tilespmem:$0x1B580] =	vst v63  }
0x25: {  	s5 =	simm.s32 @!p0 $0x1  }
0x26: {  	_ =	swait.ge @!p0 [sflag:s5], $0x4000  }
0x27: {  	s23 =	sadd.s32 $0x1, s23;
	[sflag:s5] =	ssyncset.done @!p0 $0x0  }
0x28: {  	p1 =	sne.s32 s23, s19;
	[sflag:s5] =	ssyncadd.s32 @!p0 $0xFFFFC000;
	s5 =	simm.s32 @!p0 $0x0  }
0x29: {  	[hbm4b:s18+s5] =	stream.linear.scatter @!p0 [tilespmem:s7], [sflag:$0x2], $0x4000, $0x38;
	[tilespmem:$0x1B580] =	vst v63  }
.Ltmp1:
0x2a: {  	_ = 	snop;
	(pc) =	sbr.rel @!p1 .LBB2_14-.Ltmp1, $4  }
0x2b: {  	s5 =	simm.s32 @!p0 $0x2  }
0x2c: {  	_ =	swait.ge @!p0 [sflag:s5], $0x4000  }
0x2d: {  	[sflag:s5] =	ssyncset.done @!p0 $0x0  }
0x2e: {  	[sflag:s5] =	ssyncadd.s32 @!p0 $0xFFFFC000  }
.LBB2_1:
0x2f: {  	s5 =	simm.s32 $0x2780  }
0x30: {  	[tilespmem:s5], [sflag:$0x2] =	stream.linear.gather [hbm4b:s9+s6], $0x2710, $0x38;
	[tilespmem:$0x1B580] =	vst v63  }
0x31: {  	_ =	swait.ge [sflag:s21], $0x2710  }
0x32: {  	[sflag:s21] =	ssyncset.done $0x0  }
0x33: {  	s7 =	simm.s32 $0x4F00;
	[sflag:s21] =	ssyncadd.s32 $0xFFFFD8F0  }
0x34: {  	[tilespmem:s7], [sflag:$0x2] =	stream.linear.gather [hbm4b:s8+s6], $0x2710, $0x38;
	[tilespmem:$0x1B580] =	vst v63  }
0x35: {  	_ =	swait.ge [sflag:s21], $0x2710  }
0x36: {  	[sflag:s21] =	ssyncset.done $0x0  }
0x37: {  	s26 =	simm.s32 $0x7680;
	[sflag:s21] =	ssyncadd.s32 $0xFFFFD8F0  }
0x38: {  	[tilespmem:s26], [sflag:$0x2] =	stream.linear.gather [hbm4b:s10+s6], $0x2710, $0x38;
	[tilespmem:$0x1B580] =	vst v63  }
0x39: {  	_ =	swait.ge [sflag:s21], $0x2710  }
0x3a: {  	[sflag:s21] =	ssyncset.done $0x0  }
0x3b: {  	[sflag:s21] =	ssyncadd.s32 $0xFFFFD8F0  }
0x3c: {  	s7 =	simm.s32 $0x13180;
	s28 =	rddreg [dreg:$0x3]  }
0x3d: {  	[tilespmem:s7], [sflag:$0x2] =	stream.linear.gather [hbm4b:s28+s6], $0x100, $0x38;
	[tilespmem:$0x1B580] =	vst v63  }
0x3e: {  	_ =	swait.ge [sflag:s21], $0x100  }
0x3f: {  	[sflag:s21] =	ssyncset.done $0x0  }
0x40: {  	s28 =	simm.s32 $0x13280;
	s26 =	rddreg [dreg:$0x7];
	[sflag:s21] =	ssyncadd.s32 $0xFFFFFF00  }
0x41: {  	[tilespmem:s28], [sflag:$0x2] =	stream.linear.gather [hbm4b:s26+s6], $0x100, $0x38;
	[tilespmem:$0x1B580] =	vst v63  }
0x42: {  	_ =	swait.ge [sflag:s21], $0x100  }
0x43: {  	[sflag:s21] =	ssyncset.done $0x0  }
0x44: {  	s5 =	simm.s32 $0x0;
	s26 =	simm.s32 $0x200;
	[sflag:s21] =	ssyncadd.s32 $0xFFFFFF00  }
.LBB2_2:
0x45: {  	p1 =	sne.s32 s26, $0x8000;
	[tilespmem:s5+$0x10DF0] =	vst v0  }
0x46: {  	[tilespmem:s5+$0x10D80] =	vst v0  }
0x47: {  	[tilespmem:s5+$0x10D90] =	vst v0  }
.Ltmp2:
0x48: {  	[tilespmem:s5+$0x10DA0] =	vst v0;
	(pc) =	sbr.rel @p1 .LBB2_2-.Ltmp2, $4  }
0x49: {  	[tilespmem:s5+$0x10DB0] =	vst v0  }
0x4a: {  	[tilespmem:s5+$0x10DC0] =	vst v0  }
0x4b: {  	[tilespmem:s5+$0x10DD0] =	vst v0  }
0x4c: {  	[tilespmem:s5+$0x10DE0] =	vst v0;
	s5 =	sshra.s32 s26, $0x2;
	s26 =	sadd.s32 $0x200, s26  }
0x4d: {  	[tilespmem:s5+$0x10DF0] =	vst v0  }
0x4e: {  	[tilespmem:s5+$0x10D80] =	vst v0  }
0x4f: {  	[tilespmem:s5+$0x10D90] =	vst v0  }
0x50: {  	[tilespmem:s5+$0x10DA0] =	vst v0  }
0x51: {  	[tilespmem:s5+$0x10DB0] =	vst v0  }
0x52: {  	[tilespmem:s5+$0x10DC0] =	vst v0  }
0x53: {  	[tilespmem:s5+$0x10DD0] =	vst v0  }
0x54: {  	[tilespmem:s5+$0x10DE0] =	vst v0;
	s5 =	simm.s32 $0x0;
	s26 =	simm.s32 $0x200  }
.LBB2_4:
0x55: {  	p1 =	sne.s32 s26, $0x1E00;
	[tilespmem:s5+$0x105F0] =	vst v0  }
0x56: {  	[tilespmem:s5+$0x10580] =	vst v1  }
0x57: {  	[tilespmem:s5+$0x10590] =	vst v0  }
.Ltmp3:
0x58: {  	[tilespmem:s5+$0x105A0] =	vst v0;
	(pc) =	sbr.rel @p1 .LBB2_4-.Ltmp3, $4  }
0x59: {  	[tilespmem:s5+$0x105B0] =	vst v0  }
0x5a: {  	[tilespmem:s5+$0x105C0] =	vst v0  }
0x5b: {  	[tilespmem:s5+$0x105D0] =	vst v0  }
0x5c: {  	[tilespmem:s5+$0x105E0] =	vst v0;
	s5 =	sshra.s32 s26, $0x2;
	s26 =	sadd.s32 $0x200, s26  }
0x5d: {  	[tilespmem:s5+$0x105F0] =	vst v0  }
0x5e: {  	[tilespmem:s5+$0x10580] =	vst v1  }
0x5f: {  	[tilespmem:s5+$0x10590] =	vst v0  }
0x60: {  	[tilespmem:s5+$0x105A0] =	vst v0  }
0x61: {  	[tilespmem:s5+$0x105B0] =	vst v0  }
0x62: {  	[tilespmem:s5+$0x105C0] =	vst v0  }
0x63: {  	[tilespmem:s5+$0x105D0] =	vst v0  }
0x64: {  	[tilespmem:s5+$0x105E0] =	vst v0  }
0x65: {  	[spmem:s11] =	stream.linear.scatter [tilespmem:s29], [sflag:$0x2], $0x2080, $0x38;
	[tilespmem:$0x1B580] =	vst v63  }
0x66: {  	_ =	swait.ge [sflag:s21], $0x2080  }
0x67: {  	[sflag:s21] =	ssyncset.done $0x0  }
0x68: {  	[sflag:s21] =	ssyncadd.s32 $0xFFFFDF80  }
0x69: {  	[spmem:s12] =	stream.linear.scatter [tilespmem:s29], [sflag:$0x2], $0x2000, $0x38;
	[tilespmem:$0x1B580] =	vst v63  }
0x6a: {  	_ =	swait.ge [sflag:s21], $0x2000  }
0x6b: {  	[sflag:s21] =	ssyncset.done $0x0  }
0x6c: {  	[sflag:s21] =	ssyncadd.s32 $0xFFFFE000  }
0x6d: {  	[spmem:s13] =	stream.linear.scatter [tilespmem:s29], [sflag:$0x2], $0x2080, $0x38;
	[tilespmem:$0x1B580] =	vst v63  }
0x6e: {  	_ =	swait.ge [sflag:s21], $0x2080  }
0x6f: {  	[sflag:s21] =	ssyncset.done $0x0  }
0x70: {  	[sflag:s21] =	ssyncadd.s32 $0xFFFFDF80  }
0x71: {  	[spmem:s14] =	stream.linear.scatter [tilespmem:s29], [sflag:$0x2], $0x2000, $0x38;
	[tilespmem:$0x1B580] =	vst v63  }
0x72: {  	_ =	swait.ge [sflag:s21], $0x2000  }
0x73: {  	[sflag:s21] =	ssyncset.done $0x0  }
0x74: {  	s26 =	simm.s32 $0x140;
	s5 =	simm.s32 $0x0;
	[sflag:s21] =	ssyncadd.s32 $0xFFFFE000  }
.LBB2_6:
0x75: {  	p1 =	sne.s32 s26, $0x9B00;
	[tilespmem:s5+$0x40] =	vst v2;
	s28 =	smov.u32 s26;
	s26 =	sadd.s32 $0x140, s26  }
.Ltmp4:
0x76: {  	[tilespmem:s5+$0x30] =	vst v2;
	(pc) =	sbr.rel @p1 .LBB2_6-.Ltmp4, $4  }
0x77: {  	[tilespmem:s5+$0x20] =	vst v2  }
0x78: {  	[tilespmem:s5+$0x0] =	vst v2  }
0x79: {  	[tilespmem:s5+$0x10] =	vst v2  }
0x7a: {  	s5 =	sshra.s32 s28, $0x2  }
0x7b: {  	[tilespmem:s5+$0x40] =	vst v2  }
0x7c: {  	[tilespmem:s5+$0x30] =	vst v2  }
0x7d: {  	[tilespmem:s5+$0x20] =	vst v2  }
0x7e: {  	[tilespmem:s5+$0x0] =	vst v2  }
0x7f: {  	[tilespmem:s5+$0x10] =	vst v2  }
0x80: {  	v5 =	vld [tilespmem:$0x13180];
	_ =	sdelay $0x2  }
0x81: {  	v6 =	vld [tilespmem:$0x13280];
	_ =	sdelay $0x3  }
0x82: {  	s26 =	simm.s32 $0x0  }
0x83: {  	[tilespmem:v5+s26+$0x0] =	vst.idx.msk $0xffff, v6  }
0x84: {  	v5 =	vld [tilespmem:$0x13190];
	_ =	sdelay $0x2  }
0x85: {  	v6 =	vld [tilespmem:$0x13290];
	_ =	sdelay $0x4  }
0x86: {  	[tilespmem:v5+s26+$0x0] =	vst.idx.msk $0xffff, v6  }
0x87: {  	v5 =	vld [tilespmem:$0x131A0];
	_ =	sdelay $0x2  }
0x88: {  	v6 =	vld [tilespmem:$0x132A0];
	_ =	sdelay $0x4  }
0x89: {  	[tilespmem:v5+s26+$0x0] =	vst.idx.msk $0xffff, v6  }
0x8a: {  	v5 =	vld [tilespmem:$0x131B0];
	_ =	sdelay $0x2  }
0x8b: {  	v6 =	vld [tilespmem:$0x132B0];
	_ =	sdelay $0x4  }
0x8c: {  	[tilespmem:v5+s26+$0x0] =	vst.idx.msk $0xffff, v6  }
0x8d: {  	v5 =	vld [tilespmem:$0x131C0];
	_ =	sdelay $0x2  }
0x8e: {  	v6 =	vld [tilespmem:$0x132C0];
	_ =	sdelay $0x4  }
0x8f: {  	[tilespmem:v5+s26+$0x0] =	vst.idx.msk $0xffff, v6  }
0x90: {  	v5 =	vld [tilespmem:$0x131D0];
	_ =	sdelay $0x2  }
0x91: {  	v6 =	vld [tilespmem:$0x132D0];
	_ =	sdelay $0x4  }
0x92: {  	[tilespmem:v5+s26+$0x0] =	vst.idx.msk $0xffff, v6  }
0x93: {  	v5 =	vld [tilespmem:$0x131E0];
	_ =	sdelay $0x2  }
0x94: {  	v6 =	vld [tilespmem:$0x132E0];
	_ =	sdelay $0x4  }
0x95: {  	[tilespmem:v5+s26+$0x0] =	vst.idx.msk $0xffff, v6  }
0x96: {  	v5 =	vld [tilespmem:$0x131F0];
	_ =	sdelay $0x2  }
0x97: {  	v6 =	vld [tilespmem:$0x132F0];
	_ =	sdelay $0x4  }
0x98: {  	[tilespmem:v5+s26+$0x0] =	vst.idx.msk $0xffff, v6  }
0x99: {  	v5 =	vld [tilespmem:$0x13200];
	_ =	sdelay $0x2  }
0x9a: {  	v6 =	vld [tilespmem:$0x13300];
	_ =	sdelay $0x4  }
0x9b: {  	[tilespmem:v5+s26+$0x0] =	vst.idx.msk $0xffff, v6  }
0x9c: {  	v5 =	vld [tilespmem:$0x13210];
	_ =	sdelay $0x2  }
0x9d: {  	v6 =	vld [tilespmem:$0x13310];
	_ =	sdelay $0x4  }
0x9e: {  	[tilespmem:v5+s26+$0x0] =	vst.idx.msk $0xffff, v6  }
0x9f: {  	v5 =	vld [tilespmem:$0x13220];
	_ =	sdelay $0x2  }
0xa0: {  	v6 =	vld [tilespmem:$0x13320];
	_ =	sdelay $0x4  }
0xa1: {  	[tilespmem:v5+s26+$0x0] =	vst.idx.msk $0xffff, v6  }
0xa2: {  	v5 =	vld [tilespmem:$0x13230];
	_ =	sdelay $0x2  }
0xa3: {  	v6 =	vld [tilespmem:$0x13330];
	_ =	sdelay $0x4  }
0xa4: {  	[tilespmem:v5+s26+$0x0] =	vst.idx.msk $0xffff, v6  }
0xa5: {  	v5 =	vld [tilespmem:$0x13240];
	_ =	sdelay $0x2  }
0xa6: {  	v6 =	vld [tilespmem:$0x13340];
	_ =	sdelay $0x4  }
0xa7: {  	[tilespmem:v5+s26+$0x0] =	vst.idx.msk $0xffff, v6  }
0xa8: {  	v5 =	vld [tilespmem:$0x13250];
	_ =	sdelay $0x2  }
0xa9: {  	v6 =	vld [tilespmem:$0x13350];
	_ =	sdelay $0x4  }
0xaa: {  	[tilespmem:v5+s26+$0x0] =	vst.idx.msk $0xffff, v6  }
0xab: {  	v5 =	vld [tilespmem:$0x13260];
	_ =	sdelay $0x2  }
0xac: {  	v6 =	vld [tilespmem:$0x13360];
	_ =	sdelay $0x4  }
0xad: {  	[tilespmem:v5+s26+$0x0] =	vst.idx.msk $0xffff, v6  }
0xae: {  	v5 =	vld [tilespmem:$0x13270];
	_ =	sdelay $0x2  }
0xaf: {  	v6 =	vld [tilespmem:$0x13370];
	_ =	sdelay $0x4  }
0xb0: {  	[tilespmem:v5+s26+$0x0] =	vst.idx.msk $0xffff, v6  }
0xb1: {  	s7 =	simm.s32 $0x0;
	[bflag:$0x0] =	sbarrier.arrive $0xFFFF  }
0xb2: {  	v5 =	vld [tilespmem:s7+$0x4F00];
	_ =	sdelay $0x6  }
0xb3: {  	v6 =	vld [tilespmem:s7+$0x7680]  }
0xb4: {  	v5 =	vld.idx.msk [tilespmem:v5+s6+$0x0], $0xffff;
	_ =	sdelay $0x4  }
0xb5: {  	v7 =	vld [tilespmem:s7+$0x2780];
	v6 =	vshll.u32 v6, $0x16;
	v8 =	vshll.u32 v5, $0xE;
	vm0 =	vgt.s32 v5, $0xFFFFFFFF  }
0xb6: {  	v5 =	vadd.s32 v8, v6;
	v6 =	vsel vm0, $0x1, v3  }
0xb7: {  	(xrf0) =	vadd.scan.msk.s32 $0xffff, v6;
	_ =	sdelay $0x2  }
0xb8: {  	v5 =	vor.u32 v7, v5  }
0xb9: {  	s5 =	simm.s32 $0x10;
	s28 =	simm.s32 $0x80;
	[tilespmem:s26+$0x9E00] =	vst.msk vm0, v5  }
.LBB2_8:
0xba: {  	p1 =	sne.s32 s28, $0x9C00;
	v5 =	vld [tilespmem:s5+$0x4F00]  }
0xbb: {  	v6, _, _ =	vpop (xrf0)  }
0xbc: {  	(v2sf) =	vpush v6, $0xF;
	_ =	sdelay $0x5  }
0xbd: {  	v5 =	vld.idx.msk [tilespmem:v5+s6+$0x0], $0xffff;
	_ =	sdelay $0x2  }
0xbe: {  	v6 =	vld [tilespmem:s5+$0x7680];
	_ =	sdelay $0x1  }
0xbf: {  	v7 =	vld [tilespmem:s5+$0x2780]  }
0xc0: {  	vm0 =	vgt.s32 v5, $0xFFFFFFFF;
	v5 =	vshll.u32 v5, $0xE  }
0xc1: {  	v8 =	vsel vm0, $0x1, v3  }
.Ltmp5:
0xc2: {  	v6 =	vshll.u32 v6, $0x16;
	(xrf0) =	vadd.scan.msk.s32 $0xffff, v8;
	(pc) =	sbr.rel @p1 .LBB2_8-.Ltmp5, $4  }
0xc3: {  	v5 =	vadd.s32 v5, v6;
	s5 =	spop (v2sf)  }
0xc4: {  	v5 =	vor.u32 v7, v5;
	s26 =	sadd.s32 s26, s5  }
0xc5: {  	[tilespmem:s26+$0x9E00] =	vst.msk vm0, v5  }
0xc6: {  	s5 =	sshra.s32 s28, $0x2;
	s28 =	sadd.s32 $0x40, s28  }
0xc7: {  	v5 =	vld [tilespmem:s5+$0x4F00];
	_ =	sdelay $0x7  }
0xc8: {  	v5 =	vld.idx.msk [tilespmem:v5+s6+$0x0], $0xffff;
	_ =	sdelay $0x4  }
0xc9: {  	vm0 =	vgt.s32 v5, $0xFFFFFFFF  }
0xca: {  	v6 =	vsel vm0, $0x1, v3  }
0xcb: {  	(xrf0) =	vadd.scan.msk.s32 $0xffff, v6;
	_ =	sdelay $0x4  }
0xcc: {  	v6, _, _ =	vpop (xrf0)  }
0xcd: {  	(v2sf) =	vpush v6, $0xF;
	v6, _, _ =	vpop (xrf0)  }
0xce: {  	(v2sf) =	vpush v6, $0xF;
	_ =	sdelay $0xd  }
0xcf: {  	s28 =	spop (v2sf)  }
0xd0: {  	s26 =	sadd.s32 s26, s28;
	s7 =	spop (v2sf)  }
0xd1: {  	s28 =	sadd.s32 s26, s7  }
0xd2: {  	v7 =	vld [tilespmem:s5+$0x2780];
	s7 =	sadd.s32 $0xF, s28  }
0xd3: {  	v6 =	vld [tilespmem:s5+$0x7680];
	s5 =	sand.u32 $0xF, s7  }
0xd4: {  	p2 =	slt.s32 s7, $0x1;
	p1 =	sne.s32 s5, $0x0;
	s5 =	sshra.s32 s7, $0x1F  }
0xd5: {  	s5 =	sshrl.u32 s5, $0x1C;
	p1 =	por !p2, !p1  }
0xd6: {  	s5 =	sadd.s32 s5, s7;
	p1 =	por !p1, !p1;
	s7 =	simm.s32 $0x1  }
0xd7: {  	s5 =	sshra.s32 s5, $0x4;
	s7 =	simm.s32 @!p1 $0x0  }
0xd8: {  	s5 =	ssub.s32 s5, s7  }
0xd9: {  	p1 =	slt.s32 s5, $0x1  }
.Ltmp6:
0xda: {  	v5 =	vshll.u32 v5, $0xE;
	v6 =	vshll.u32 v6, $0x16;
	(pc) =	sbr.rel @p1 .LBB2_13-.Ltmp6, $4  }
0xdb: {  	v5 =	vadd.s32 v5, v6  }
0xdc: {  	v5 =	vor.u32 v7, v5  }
0xdd: {  	[tilespmem:s26+$0x9E00] =	vst.msk vm0, v5  }
0xde: {  	s26 =	simm.s32 $0x9E00;
	[tilespmem:s28+$0x9E00] =	vst v4  }
0xdf: {  	v5 =	vld [tilespmem:s26+$0x0];
	_ =	sdelay $0x4  }
0xe0: {  	v6 =	vand.u32 $0x3FFF, v5  }
0xe1: {  	v5 =	vshrl.u32 v5, $0xE;
	[tilespmem:$0x13380] =	vst v6  }
0xe2: {  	[tilespmem:$0x13400] =	vst v5  }
0xe3: {  	[tilespmem:s2], [sflag:$0x1] =	stream.indirect.gather [hbm4b:s0+s31], $0x80, s1, s31, $0xb8;
	[tilespmem:$0x1B580] =	vst v63  }
0xe4: {  	_ =	swait.ge [sflag:s30], $0x800  }
0xe5: {  	[sflag:s30] =	ssyncset.done $0x0  }
0xe6: {  	p1 =	sne.s32 s5, $0x1;
	[sflag:s30] =	ssyncadd.s32 $0xFFFFF800  }
0xe7: {  	[spmem:s3] =	stream.indirect.scatter.add.f32 [tilespmem:s2], [sflag:$0x2], $0x80, s20, s31, $0xb8;
	[tilespmem:$0x1B580] =	vst v63  }
.Ltmp7:
0xe8: {  	_ =	swait.ge [sflag:s21], $0x800;
	(pc) =	sbr.rel @!p1 .LBB2_12-.Ltmp7, $4  }
0xe9: {  	[sflag:s21] =	ssyncset.done $0x0  }
0xea: {  	[sflag:s21] =	ssyncadd.s32 $0xFFFFF800  }
0xeb: {  	[spmem:s4] =	stream.indirect.scatter.add.f32 [tilespmem:s22], [sflag:$0x2], $0x80, s20, s31, $0xb8;
	[tilespmem:$0x1B580] =	vst v63  }
0xec: {  	s28 =	sadd.s32 $0xFFFFFFFF, s5;
	_ =	swait.ge [sflag:s21], $0x800  }
.LBB2_11:
0xed: {  	p1 =	sne.s32 s28, $0x1;
	[sflag:s21] =	ssyncset.done $0x0;
	s26 =	sadd.s32 $0x10, s26  }
0xee: {  	s28 =	sadd.s32 $0xFFFFFFFF, s28;
	[sflag:s21] =	ssyncadd.s32 $0xFFFFF800  }
0xef: {  	v5 =	vld [tilespmem:s26+$0x0];
	_ =	sdelay $0x4  }
0xf0: {  	v6 =	vand.u32 $0x3FFF, v5;
	v5 =	vshrl.u32 v5, $0xE  }
0xf1: {  	[tilespmem:$0x13380] =	vst v6  }
0xf2: {  	[tilespmem:$0x13400] =	vst v5  }
0xf3: {  	[tilespmem:s2], [sflag:$0x1] =	stream.indirect.gather [hbm4b:s0+s31], $0x80, s1, s31, $0xb8;
	[tilespmem:$0x1B580] =	vst v63  }
0xf4: {  	_ =	swait.ge [sflag:s30], $0x800  }
0xf5: {  	[sflag:s30] =	ssyncset.done $0x0  }
0xf6: {  	[sflag:s30] =	ssyncadd.s32 $0xFFFFF800  }
0xf7: {  	[spmem:s3] =	stream.indirect.scatter.add.f32 [tilespmem:s2], [sflag:$0x2], $0x80, s20, s31, $0xb8;
	[tilespmem:$0x1B580] =	vst v63  }
.Ltmp8:
0xf8: {  	_ =	swait.ge [sflag:s21], $0x800;
	(pc) =	sbr.rel @p1 .LBB2_11-.Ltmp8, $4  }
0xf9: {  	[sflag:s21] =	ssyncset.done $0x0  }
0xfa: {  	[sflag:s21] =	ssyncadd.s32 $0xFFFFF800  }
0xfb: {  	[spmem:s4] =	stream.indirect.scatter.add.f32 [tilespmem:s22], [sflag:$0x2], $0x80, s20, s31, $0xb8;
	[tilespmem:$0x1B580] =	vst v63  }
0xfc: {  	_ =	swait.ge [sflag:s21], $0x800  }
.Ltmp9:
0xfd: {  	_ = 	snop;
	(pc) =	sbr.rel .LBB2_12-.Ltmp9, $1  }
0xfe: {  	_ =	sdelay $0x3  }
.LBB2_14:
0xff: {  	_ =	sfence.sel $0x180000  }
0x100: {  	[bflag:$0x0] =	sbarrier.arrive $0xFFFF  }
0x101: {  	_ =	strace $0x90000047  }
0x102: {  	[bflag:$0x2] =	sbarrier.arrive $0xFFFF  }
0x103: {  	s0 =	rddreg [dreg:$0x6]  }
0x104: {  	s0 =	sadd.s32 @!p0 $0x100000, s0  }
0x105: {  	[sflag:s0] =	ssyncadd.tile.s32 @!p0 $0x1;
	_ =	shalt  }
.Lfunc_end2:
_tile_overlayer_lowered:
.L_overlay_start_2:
0x106: {  	(tag) =	ssettag $0x2  }
0x107: {  	s0 =	rddreg [dreg:$0x0];
	s2 =	stileid.u32  }
0x108: {  	s1 =	rddreg [dreg:$0x1];
	p0 =	sne.s32 s2, $0x0  }
0x109: {  	s3 =	rddreg [dreg:$0x2];
	[bflag:$0x3] =	sbarrier.arrive $0xFFFF;
	s2 =	simm.s32 @!p0 $0x1C02  }
0x10a: {  	[timem:s3], [sflag:s2] =	dma.local @!p0 [hbm:s0], s1  }
0x10b: {  	s0 =	simm.s32 @!p0 $0x2  }
0x10c: {  	_ =	swait.ge @!p0 [sflag:s0], s1  }
0x10d: {  	s1 =	ssub.s32 @!p0 $0x0, s1;
	[sflag:s0] =	ssyncset.done @!p0 $0x0  }
0x10e: {  	[sflag:s0] =	ssyncadd.s32 @!p0 s1  }
0x10f: {  	[bflag:$0x3] =	sbarrier.arrive $0xFFFF  }
0x110: {  	_ =	shalt  }

</sc_bundles>
